<compile_context>
chip_gen: v7x
topology: tpu7x:2x2x1
jax: 0.10.2.dev20260603
libtpu: 0.0.44.dev20260713+nightly
codegen_flags: <defaults>
</compile_context>

<pallas_src>
import functools

import jax
import jax.numpy as jnp
from jax import lax
from jax.experimental import pallas as pl
from jax.experimental.pallas import tpu as pltpu
from jax.experimental.pallas import tpu_sc as plsc

N = 10000
D = 256
E = 160000
HALF = 128

NSUB = 16
NCORE = 2
NW = NCORE * NSUB
CHUNK = 64
GRP_M = 8
GRP_D = 4
NGRP = 20
NBUF = 4
EP = NSUB * CHUNK * GRP_M * NGRP
N_PAD = 10112
ROWS_PER_SUB = N_PAD // NSUB
NDEG = 80

_mesh = plsc.VectorSubcoreMesh(core_axis_name="c", subcore_axis_name="s")


@functools.partial(
    pl.kernel,
    mesh=_mesh,
    out_type=[
        jax.ShapeDtypeStruct((NCORE * N_PAD, HALF), jnp.float32),
        jax.ShapeDtypeStruct((NCORE * NDEG, HALF), jnp.float32),
    ],
    scratch_types=[
        pltpu.VMEM_SHARED((N_PAD, HALF), jnp.float32),
        pltpu.VMEM_SHARED((NDEG, HALF), jnp.float32),
        pltpu.VMEM((3 * GRP_M, CHUNK), jnp.int32),
        pltpu.VMEM((CHUNK, HALF), jnp.float32),
        pltpu.VMEM((CHUNK, HALF), jnp.float32),
        pltpu.VMEM((CHUNK, HALF), jnp.float32),
        pltpu.VMEM((CHUNK, HALF), jnp.float32),
        pltpu.SemaphoreType.DMA,
        pltpu.SemaphoreType.DMA,
        pltpu.SemaphoreType.DMA,
        pltpu.SemaphoreType.DMA,
        pltpu.SemaphoreType.DMA,
        pltpu.SemaphoreType.DMA,
        pltpu.SemaphoreType.DMA,
        pltpu.SemaphoreType.DMA,
    ],
)
def _sc_segment_sum(x2, eye_rep, sd3, zeros_h,
                    agg, deg,
                    acc, dacc, sd_v, b0, b1, b2, b3,
                    g0, g1, g2, g3, s0, s1, s2, s3):
    cid = lax.axis_index("c")
    sid = lax.axis_index("s")
    r0 = sid * ROWS_PER_SUB

    pltpu.sync_copy(zeros_h, acc.at[pl.ds(r0, ROWS_PER_SUB)])
    pltpu.sync_copy(zeros_h.at[pl.ds(0, NDEG)], dacc)
    plsc.subcore_barrier()

    bufs = [(b0, g0, s0), (b1, g1, s1), (b2, g2, s2), (b3, g3, s3)]

    sched = []
    for q in range(GRP_D):
        sched.append((x2, acc, 2 * q, GRP_M + 2 * q))
        sched.append((x2, acc, 2 * q + 1, GRP_M + 2 * q + 1))
        sched.append((eye_rep, dacc, 2 * GRP_M + q, 2 * GRP_M + GRP_D + q))

    def group(g, carry):
        row = (cid * NSUB + sid) * NGRP + g
        pltpu.sync_copy(sd3.at[row], sd_v)
        n = len(sched)
        hg = [None] * n
        hs = [None] * n
        for j in range(NBUF - 1):
            table, _, gi, _ = sched[j]
            buf, gsem, _ = bufs[j % NBUF]
            hg[j] = pltpu.async_copy(table.at[sd_v.at[gi]], buf, gsem)
        for j in range(n):
            _, accum, _, si = sched[j]
            buf, _, ssem = bufs[j % NBUF]
            hg[j].wait()
            k = j + NBUF - 1
            if k < n:
                ntab, _, ngi, _ = sched[k]
                nbuf, ngsem, _ = bufs[k % NBUF]
                if hs[k - NBUF] is not None:
                    hs[k - NBUF].wait()
                    hs[k - NBUF] = None
                hg[k] = pltpu.async_copy(ntab.at[sd_v.at[ngi]], nbuf, ngsem)
            hs[j] = pltpu.async_copy(buf, accum.at[sd_v.at[si]],
                                     ssem, add=True)
        for h in hs:
            if h is not None:
                h.wait()
        return carry

    lax.fori_loop(0, NGRP, group, 0)
    plsc.subcore_barrier()

    pltpu.sync_copy(acc.at[pl.ds(r0, ROWS_PER_SUB)],
                    agg.at[pl.ds(cid * N_PAD + r0, ROWS_PER_SUB)])
    pltpu.sync_copy(dacc, deg.at[pl.ds(cid * NDEG, NDEG)])


def _tc1_body(x_ref, ws_ref, b_ref, o_ref):
    o_ref[...] = jnp.dot(x_ref[...], ws_ref[...],
                         preferred_element_type=jnp.float32) + b_ref[0:1, :]


def _tc2_body(o1_ref, a0_ref, a1_ref, d0_ref, d1_ref, wn0_ref, wn1_ref, o_ref):
    deg = d0_ref[:, 0:1] + d1_ref[:, 0:1]
    r = 1.0 / jnp.maximum(deg, 1.0)
    h0 = a0_ref[...] * r
    h1 = a1_ref[...] * r
    acc = o1_ref[...]
    acc = acc + jnp.dot(h0, wn0_ref[...], preferred_element_type=jnp.float32)
    acc = acc + jnp.dot(h1, wn1_ref[...], preferred_element_type=jnp.float32)
    o_ref[...] = acc


BLK = 632


def kernel(x, edge_index, w, Ws1, Wn1, b1, Ws2, Wn2, b2, Ws3, Wn3, b3):
    src = edge_index[0].astype(jnp.int32)
    dst = edge_index[1].astype(jnp.int32)
    pad = EP - E
    pad_src = jnp.arange(pad, dtype=jnp.int32) * 61 % N
    pad_dst = N + jnp.arange(pad, dtype=jnp.int32) % (N_PAD - N)
    src_p = jnp.concatenate([src, pad_src])
    dst_p = jnp.concatenate([dst, pad_dst])

    x2 = x.reshape(NCORE * N, HALF)

    s_r = (2 * src_p).reshape(NSUB, NGRP, GRP_M, CHUNK)
    d_r = dst_p.reshape(NSUB, NGRP, GRP_M, CHUNK)
    wid = (jnp.arange(NCORE, dtype=jnp.int32)[:, None] * NSUB
           + jnp.arange(NSUB, dtype=jnp.int32)[None, :])
    lo_r = ((dst_p & 127).reshape(NCORE, NSUB, NGRP, GRP_D, CHUNK)
            + 128 * wid[:, :, None, None, None])
    hi_r = (dst_p >> 7).reshape(NCORE, NSUB, NGRP, GRP_D, CHUNK)
    sd3 = jnp.concatenate([
        jnp.stack([s_r, s_r + 1]),
        jnp.stack([d_r, d_r]),
        jnp.concatenate([lo_r, hi_r], axis=3),
    ], axis=3).reshape(NCORE * NSUB * NGRP, 3 * GRP_M, CHUNK)

    eye_rep = jnp.tile(jnp.eye(HALF, dtype=jnp.float32), (NW, 1))
    zeros_h = jnp.zeros((ROWS_PER_SUB, HALF), jnp.float32)

    agg, deg2 = _sc_segment_sum(x2, eye_rep, sd3, zeros_h)
    deg_a = deg2[:NDEG].reshape(NDEG * HALF)[:N]
    deg_b = deg2[NDEG:].reshape(NDEG * HALF)[:N]
    dga = jnp.broadcast_to(deg_a[:, None], (N, 16))
    dgb = jnp.broadcast_to(deg_b[:, None], (N, 16))

    wn = w / jnp.sum(w)
    Wsc = wn[0] * Ws1 + wn[1] * Ws2 + wn[2] * Ws3
    Wnc = wn[0] * Wn1 + wn[1] * Wn2 + wn[2] * Wn3
    bc = wn[0] * b1 + wn[1] * b2 + wn[2] * b3
    b_pad = jnp.zeros((8, D), jnp.float32).at[0].set(bc)

    nblk = N_PAD // BLK
    out1 = pl.pallas_call(
        _tc1_body,
        grid=(nblk,),
        in_specs=[
            pl.BlockSpec((BLK, D), lambda i: (i, 0)),
            pl.BlockSpec((D, D), lambda i: (0, 0)),
            pl.BlockSpec((8, D), lambda i: (0, 0)),
        ],
        out_specs=pl.BlockSpec((BLK, D), lambda i: (i, 0)),
        out_shape=jax.ShapeDtypeStruct((N, D), jnp.float32),
    )(x, Wsc, b_pad)
    out = pl.pallas_call(
        _tc2_body,
        grid=(nblk,),
        in_specs=[
            pl.BlockSpec((BLK, D), lambda i: (i, 0)),
            pl.BlockSpec((BLK, HALF), lambda i: (i, 0)),
            pl.BlockSpec((BLK, HALF), lambda i: (i + nblk, 0)),
            pl.BlockSpec((BLK, 16), lambda i: (i, 0)),
            pl.BlockSpec((BLK, 16), lambda i: (i, 0)),
            pl.BlockSpec((HALF, D), lambda i: (0, 0)),
            pl.BlockSpec((HALF, D), lambda i: (0, 0)),
        ],
        out_specs=pl.BlockSpec((BLK, D), lambda i: (i, 0)),
        out_shape=jax.ShapeDtypeStruct((N, D), jnp.float32),
    )(out1, agg, agg, dga, dgb, Wnc[:HALF], Wnc[HALF:])
    return out

# --- scband reference (transcript-rebuilt; emitter-appended) ---
"""Pipeline reference for scband-co-net-53317724013137 (READ-ONLY COPY).

The authoritative reference and input builder live on the scoring server;
editing this copy changes nothing except your own understanding.
"""

import jax, jax.numpy as jnp
import numpy as np

N = 10000
E = 160000
D = 256
O = 256


def _sage_mean(x, src, dst, Ws, Wn, b):
    # DGL SAGEConv with 'mean' aggregator:
    # h_neigh = mean over incoming neighbors of x[src]; rst = x @ Ws + h_neigh @ Wn + b
    msg = x[src]
    agg = jax.ops.segment_sum(msg, dst, num_segments=N)
    deg = jax.ops.segment_sum(jnp.ones((src.shape[0],), x.dtype), dst, num_segments=N)
    h_neigh = agg / jnp.maximum(deg, 1.0)[:, None]
    return x @ Ws + h_neigh @ Wn + b


def setup_inputs(seed: int = 0) -> dict:
    key = jax.random.key(seed)
    ks = jax.random.split(key, 12)
    x = jax.random.normal(ks[0], (N, D), dtype=jnp.float32)
    edge_index = jax.random.randint(ks[1], (2, E), 0, N)
    scale = 1.0 / np.sqrt(D)
    params = {}
    for i in range(3):
        params[f"Ws{i+1}"] = jax.random.normal(ks[2 + 3 * i], (D, O), dtype=jnp.float32) * scale
        params[f"Wn{i+1}"] = jax.random.normal(ks[3 + 3 * i], (D, O), dtype=jnp.float32) * scale
        params[f"b{i+1}"] = jnp.zeros((O,), dtype=jnp.float32)
    w = jnp.ones((3,), dtype=jnp.float32)  # Parameter(torch.tensor([1,1,1]))
    out = {"x": x, "edge_index": edge_index, "w": w}
    out.update(params)
    return out


def reference(x, edge_index, w, Ws1, Wn1, b1, Ws2, Wn2, b2, Ws3, Wn3, b3):
    src = edge_index[0]
    dst = edge_index[1]
    x1 = _sage_mean(x, src, dst, Ws1, Wn1, b1)
    x2 = _sage_mean(x, src, dst, Ws2, Wn2, b2)
    x3 = _sage_mean(x, src, dst, Ws3, Wn3, b3)
    weights = w / jnp.sum(w, 0)
    return weights[0] * x1 + weights[1] * x2 + weights[2] * x3

if __name__ == "__main__":
    import jax
    _d = setup_inputs()
    print(jax.jit(kernel)(*tuple(_d.values())))

</pallas_src>

<mosaic_0001>
#map = affine_map<(d0, d1) -> (0, 0)>
#map1 = affine_map<(d0, d1) -> (0, 0, 0)>
module attributes {stable_mosaic.version = 14 : i64} {
  func.func @_sc_segment_sum(%arg0: i32, %arg1: i32, %arg2: memref<20000x128xf32, #tpu.memory_space<hbm>>, %arg3: memref<4096x128xf32, #tpu.memory_space<hbm>>, %arg4: memref<640x24x64xi32, #tpu.memory_space<hbm>>, %arg5: memref<632x128xf32, #tpu.memory_space<hbm>>, %arg6: memref<20224x128xf32, #tpu.memory_space<hbm>>, %arg7: memref<160x128xf32, #tpu.memory_space<hbm>>, %arg8: memref<10112x128xf32, #tpu.memory_space<vmem_shared>>, %arg9: memref<80x128xf32, #tpu.memory_space<vmem_shared>>, %arg10: memref<24x64xi32, #tpu.memory_space<vmem>>, %arg11: memref<64x128xf32, #tpu.memory_space<vmem>>, %arg12: memref<64x128xf32, #tpu.memory_space<vmem>>, %arg13: memref<64x128xf32, #tpu.memory_space<vmem>>, %arg14: memref<64x128xf32, #tpu.memory_space<vmem>>, %arg15: memref<!tpu.dma_semaphore, #tpu.memory_space<semaphore_mem>>, %arg16: memref<!tpu.dma_semaphore, #tpu.memory_space<semaphore_mem>>, %arg17: memref<!tpu.dma_semaphore, #tpu.memory_space<semaphore_mem>>, %arg18: memref<!tpu.dma_semaphore, #tpu.memory_space<semaphore_mem>>, %arg19: memref<!tpu.dma_semaphore, #tpu.memory_space<semaphore_mem>>, %arg20: memref<!tpu.dma_semaphore, #tpu.memory_space<semaphore_mem>>, %arg21: memref<!tpu.dma_semaphore, #tpu.memory_space<semaphore_mem>>, %arg22: memref<!tpu.dma_semaphore, #tpu.memory_space<semaphore_mem>>) attributes {dimension_semantics = [#tpu.dimension_semantics<core_parallel>, #tpu.dimension_semantics<subcore_parallel>], iteration_bounds = array<i64: 2, 16>, scalar_prefetch = 0 : i64, scratch_operands = 15 : i64, tpu.core_type = #tpu.core_type<sc_vector_subcore>, window_params = [{transform_indices = #map}, {transform_indices = #map}, {transform_indices = #map1}, {transform_indices = #map}, {transform_indices = #map}, {transform_indices = #map}]} {
    %mul3A = arith.constant 632 : i32
    %mul3A_0 = arith.muli %arg1, %mul3A : i32
    "tpu.region"() ({
      %run_scoped3A = tpu.sem_alloc : memref<!tpu.dma_semaphore, #tpu.memory_space<semaphore_mem>>
      %dma_start3A = arith.constant 0 : i32
      %dma_start3A_11 = tpu.memref_slice %arg8[%mul3A_0, %dma_start3A] : memref<10112x128xf32, #tpu.memory_space<vmem_shared>> -> memref<632x128xf32, #tpu.memory_space<vmem_shared>>
      tpu.enqueue_dma source(%arg5 : memref<632x128xf32, #tpu.memory_space<hbm>>) target(%dma_start3A_11 : memref<632x128xf32, #tpu.memory_space<vmem_shared>>) target_semaphore(%run_scoped3A : memref<!tpu.dma_semaphore, #tpu.memory_space<semaphore_mem>>)
      %dma_wait3A = arith.constant 0 : i32
      %dma_wait3A_12 = tpu.memref_slice %arg8[%mul3A_0, %dma_wait3A] : memref<10112x128xf32, #tpu.memory_space<vmem_shared>> -> memref<632x128xf32, #tpu.memory_space<vmem_shared>>
      tpu.wait_dma2 semaphore(%run_scoped3A : memref<!tpu.dma_semaphore, #tpu.memory_space<semaphore_mem>>) src(%arg5 : memref<632x128xf32, #tpu.memory_space<hbm>>) dst(%dma_wait3A_12 : memref<632x128xf32, #tpu.memory_space<vmem_shared>>)
      tpu.yield
    }) : () -> ()
    "tpu.region"() ({
      %run_scoped3A = tpu.sem_alloc : memref<!tpu.dma_semaphore, #tpu.memory_space<semaphore_mem>>
      %dma_start3A = arith.constant 0 : i32
      %dma_start3A_11 = arith.constant 0 : i32
      %dma_start3A_12 = tpu.memref_slice %arg5[%dma_start3A, %dma_start3A_11] : memref<632x128xf32, #tpu.memory_space<hbm>> -> memref<80x128xf32, #tpu.memory_space<hbm>>
      tpu.enqueue_dma source(%dma_start3A_12 : memref<80x128xf32, #tpu.memory_space<hbm>>) target(%arg9 : memref<80x128xf32, #tpu.memory_space<vmem_shared>>) target_semaphore(%run_scoped3A : memref<!tpu.dma_semaphore, #tpu.memory_space<semaphore_mem>>)
      %dma_wait3A = arith.constant 0 : i32
      %dma_wait3A_13 = arith.constant 0 : i32
      %dma_wait3A_14 = tpu.memref_slice %arg5[%dma_wait3A, %dma_wait3A_13] : memref<632x128xf32, #tpu.memory_space<hbm>> -> memref<80x128xf32, #tpu.memory_space<hbm>>
      tpu.wait_dma2 semaphore(%run_scoped3A : memref<!tpu.dma_semaphore, #tpu.memory_space<semaphore_mem>>) src(%dma_wait3A_14 : memref<80x128xf32, #tpu.memory_space<hbm>>) dst(%arg9 : memref<80x128xf32, #tpu.memory_space<vmem_shared>>)
      tpu.yield
    }) : () -> ()
    %barrier3A = arith.constant 0 : index
    tpu.barrier barrier_id(%barrier3A)
    %scan3A = arith.constant 0 : i32
    %scan3A_1 = arith.constant 0 : i32
    %scan3A_2 = arith.constant 20 : i32
    %scan3A_3 = arith.addi %scan3A_1, %scan3A_2 : i32
    %scan3A_4 = arith.constant 1 : i32
    scf.for %scan3A_11 = %scan3A_1 to %scan3A_3 step %scan3A_4  : i32 {
      %mul3A_12 = arith.constant 16 : i32
      %mul3A_13 = arith.muli %arg0, %mul3A_12 : i32
      %add3A_14 = arith.addi %mul3A_13, %arg1 : i32
      %mul3A_15 = arith.constant 20 : i32
      %mul3A_16 = arith.muli %add3A_14, %mul3A_15 : i32
      %add3A_17 = arith.addi %mul3A_16, %scan3A_11 : i32
      "tpu.region"() ({
        %run_scoped3A = tpu.sem_alloc : memref<!tpu.dma_semaphore, #tpu.memory_space<semaphore_mem>>
        %dma_start3A_352 = arith.constant 0 : i32
        %dma_start3A_353 = arith.constant 0 : i32
        %dma_start3A_354 = tpu.memref_slice %arg4[%add3A_17, %dma_start3A_352, %dma_start3A_353] : memref<640x24x64xi32, #tpu.memory_space<hbm>> -> memref<1x24x64xi32, #tpu.memory_space<hbm>>
        %dma_start3A_355 = tpu.memref_squeeze %dma_start3A_354 : memref<1x24x64xi32, #tpu.memory_space<hbm>> -> memref<24x64xi32, #tpu.memory_space<hbm>>
        %dma_start3A_356 = arith.constant 0 : i32
        %dma_start3A_357 = arith.constant 0 : i32
        %dma_start3A_358 = tpu.memref_slice %arg4[%add3A_17, %dma_start3A_356, %dma_start3A_357] : memref<640x24x64xi32, #tpu.memory_space<hbm>> -> memref<1x24x64xi32, #tpu.memory_space<hbm>>
        %dma_start3A_359 = tpu.memref_squeeze %dma_start3A_358 : memref<1x24x64xi32, #tpu.memory_space<hbm>> -> memref<24x64xi32, #tpu.memory_space<hbm>>
        tpu.enqueue_dma source(%dma_start3A_359 : memref<24x64xi32, #tpu.memory_space<hbm>>) target(%arg10 : memref<24x64xi32, #tpu.memory_space<vmem>>) target_semaphore(%run_scoped3A : memref<!tpu.dma_semaphore, #tpu.memory_space<semaphore_mem>>)
        %dma_wait3A_360 = arith.constant 0 : i32
        %dma_wait3A_361 = arith.constant 0 : i32
        %dma_wait3A_362 = tpu.memref_slice %arg4[%add3A_17, %dma_wait3A_360, %dma_wait3A_361] : memref<640x24x64xi32, #tpu.memory_space<hbm>> -> memref<1x24x64xi32, #tpu.memory_space<hbm>>
        %dma_wait3A_363 = tpu.memref_squeeze %dma_wait3A_362 : memref<1x24x64xi32, #tpu.memory_space<hbm>> -> memref<24x64xi32, #tpu.memory_space<hbm>>
        %dma_wait3A_364 = arith.constant 0 : i32
        %dma_wait3A_365 = arith.constant 0 : i32
        %dma_wait3A_366 = tpu.memref_slice %arg4[%add3A_17, %dma_wait3A_364, %dma_wait3A_365] : memref<640x24x64xi32, #tpu.memory_space<hbm>> -> memref<1x24x64xi32, #tpu.memory_space<hbm>>
        %dma_wait3A_367 = tpu.memref_squeeze %dma_wait3A_366 : memref<1x24x64xi32, #tpu.memory_space<hbm>> -> memref<24x64xi32, #tpu.memory_space<hbm>>
        tpu.wait_dma2 semaphore(%run_scoped3A : memref<!tpu.dma_semaphore, #tpu.memory_space<semaphore_mem>>) src(%dma_wait3A_367 : memref<24x64xi32, #tpu.memory_space<hbm>>) dst(%arg10 : memref<24x64xi32, #tpu.memory_space<vmem>>)
        tpu.yield
      }) : () -> ()
      %dma_start3A = arith.constant 0 : i32
      %dma_start3A_18 = arith.constant 0 : i32
      %dma_start3A_19 = tpu.memref_slice %arg10[%dma_start3A, %dma_start3A_18] : memref<24x64xi32, #tpu.memory_space<vmem>> -> memref<1x64xi32, #tpu.memory_space<vmem>>
      %dma_start3A_20 = tpu.memref_squeeze %dma_start3A_19 : memref<1x64xi32, #tpu.memory_space<vmem>> -> memref<64xi32, #tpu.memory_space<vmem>>
      %dma_start3A_21 = arith.constant 0 : i32
      %dma_start3A_22 = arith.constant 0 : i32
      %dma_start3A_23 = tpu.memref_slice %arg2[%dma_start3A_21, %dma_start3A_22] : memref<20000x128xf32, #tpu.memory_space<hbm>> -> memref<20000x128xf32, #tpu.memory_space<hbm>>
      tpu.enqueue_indirect_dma source(%dma_start3A_23 : memref<20000x128xf32, #tpu.memory_space<hbm>>) target(%arg11 : memref<64x128xf32, #tpu.memory_space<vmem>>) offsets(%dma_start3A_20 : memref<64xi32, #tpu.memory_space<vmem>>) semaphore(%arg15 : memref<!tpu.dma_semaphore, #tpu.memory_space<semaphore_mem>>)
      %dma_start3A_24 = arith.constant 1 : i32
      %dma_start3A_25 = arith.constant 0 : i32
      %dma_start3A_26 = tpu.memref_slice %arg10[%dma_start3A_24, %dma_start3A_25] : memref<24x64xi32, #tpu.memory_space<vmem>> -> memref<1x64xi32, #tpu.memory_space<vmem>>
      %dma_start3A_27 = tpu.memref_squeeze %dma_start3A_26 : memref<1x64xi32, #tpu.memory_space<vmem>> -> memref<64xi32, #tpu.memory_space<vmem>>
      %dma_start3A_28 = arith.constant 0 : i32
      %dma_start3A_29 = arith.constant 0 : i32
      %dma_start3A_30 = tpu.memref_slice %arg2[%dma_start3A_28, %dma_start3A_29] : memref<20000x128xf32, #tpu.memory_space<hbm>> -> memref<20000x128xf32, #tpu.memory_space<hbm>>
      tpu.enqueue_indirect_dma source(%dma_start3A_30 : memref<20000x128xf32, #tpu.memory_space<hbm>>) target(%arg12 : memref<64x128xf32, #tpu.memory_space<vmem>>) offsets(%dma_start3A_27 : memref<64xi32, #tpu.memory_space<vmem>>) semaphore(%arg16 : memref<!tpu.dma_semaphore, #tpu.memory_space<semaphore_mem>>)
      %dma_start3A_31 = arith.constant 16 : i32
      %dma_start3A_32 = arith.constant 0 : i32
      %dma_start3A_33 = tpu.memref_slice %arg10[%dma_start3A_31, %dma_start3A_32] : memref<24x64xi32, #tpu.memory_space<vmem>> -> memref<1x64xi32, #tpu.memory_space<vmem>>
      %dma_start3A_34 = tpu.memref_squeeze %dma_start3A_33 : memref<1x64xi32, #tpu.memory_space<vmem>> -> memref<64xi32, #tpu.memory_space<vmem>>
      %dma_start3A_35 = arith.constant 0 : i32
      %dma_start3A_36 = arith.constant 0 : i32
      %dma_start3A_37 = tpu.memref_slice %arg3[%dma_start3A_35, %dma_start3A_36] : memref<4096x128xf32, #tpu.memory_space<hbm>> -> memref<4096x128xf32, #tpu.memory_space<hbm>>
      tpu.enqueue_indirect_dma source(%dma_start3A_37 : memref<4096x128xf32, #tpu.memory_space<hbm>>) target(%arg13 : memref<64x128xf32, #tpu.memory_space<vmem>>) offsets(%dma_start3A_34 : memref<64xi32, #tpu.memory_space<vmem>>) semaphore(%arg17 : memref<!tpu.dma_semaphore, #tpu.memory_space<semaphore_mem>>)
      %dma_wait3A = arith.constant 0 : i32
      %dma_wait3A_38 = arith.constant 0 : i32
      %dma_wait3A_39 = tpu.memref_slice %arg10[%dma_wait3A, %dma_wait3A_38] : memref<24x64xi32, #tpu.memory_space<vmem>> -> memref<1x64xi32, #tpu.memory_space<vmem>>
      %dma_wait3A_40 = tpu.memref_squeeze %dma_wait3A_39 : memref<1x64xi32, #tpu.memory_space<vmem>> -> memref<64xi32, #tpu.memory_space<vmem>>
      %dma_wait3A_41 = arith.constant 0 : i32
      %dma_wait3A_42 = arith.constant 0 : i32
      %dma_wait3A_43 = tpu.memref_slice %arg2[%dma_wait3A_41, %dma_wait3A_42] : memref<20000x128xf32, #tpu.memory_space<hbm>> -> memref<20000x128xf32, #tpu.memory_space<hbm>>
      tpu.wait_indirect_dma semaphore(%arg15 : memref<!tpu.dma_semaphore, #tpu.memory_space<semaphore_mem>>) src(%dma_wait3A_43 : memref<20000x128xf32, #tpu.memory_space<hbm>>) dst(%arg11 : memref<64x128xf32, #tpu.memory_space<vmem>>)
      %dma_start3A_44 = arith.constant 2 : i32
      %dma_start3A_45 = arith.constant 0 : i32
      %dma_start3A_46 = tpu.memref_slice %arg10[%dma_start3A_44, %dma_start3A_45] : memref<24x64xi32, #tpu.memory_space<vmem>> -> memref<1x64xi32, #tpu.memory_space<vmem>>
      %dma_start3A_47 = tpu.memref_squeeze %dma_start3A_46 : memref<1x64xi32, #tpu.memory_space<vmem>> -> memref<64xi32, #tpu.memory_space<vmem>>
      %dma_start3A_48 = arith.constant 0 : i32
      %dma_start3A_49 = arith.constant 0 : i32
      %dma_start3A_50 = tpu.memref_slice %arg2[%dma_start3A_48, %dma_start3A_49] : memref<20000x128xf32, #tpu.memory_space<hbm>> -> memref<20000x128xf32, #tpu.memory_space<hbm>>
      tpu.enqueue_indirect_dma source(%dma_start3A_50 : memref<20000x128xf32, #tpu.memory_space<hbm>>) target(%arg14 : memref<64x128xf32, #tpu.memory_space<vmem>>) offsets(%dma_start3A_47 : memref<64xi32, #tpu.memory_space<vmem>>) semaphore(%arg18 : memref<!tpu.dma_semaphore, #tpu.memory_space<semaphore_mem>>)
      %dma_start3A_51 = arith.constant 8 : i32
      %dma_start3A_52 = arith.constant 0 : i32
      %dma_start3A_53 = tpu.memref_slice %arg10[%dma_start3A_51, %dma_start3A_52] : memref<24x64xi32, #tpu.memory_space<vmem>> -> memref<1x64xi32, #tpu.memory_space<vmem>>
      %dma_start3A_54 = tpu.memref_squeeze %dma_start3A_53 : memref<1x64xi32, #tpu.memory_space<vmem>> -> memref<64xi32, #tpu.memory_space<vmem>>
      %dma_start3A_55 = arith.constant 0 : i32
      %dma_start3A_56 = arith.constant 0 : i32
      %dma_start3A_57 = tpu.memref_slice %arg8[%dma_start3A_55, %dma_start3A_56] : memref<10112x128xf32, #tpu.memory_space<vmem_shared>> -> memref<10112x128xf32, #tpu.memory_space<vmem_shared>>
      tpu.enqueue_indirect_dma source(%arg11 : memref<64x128xf32, #tpu.memory_space<vmem>>) target(%dma_start3A_57 : memref<10112x128xf32, #tpu.memory_space<vmem_shared>>) offsets(%dma_start3A_54 : memref<64xi32, #tpu.memory_space<vmem>>) semaphore(%arg19 : memref<!tpu.dma_semaphore, #tpu.memory_space<semaphore_mem>>) {add = true}
      %dma_wait3A_58 = arith.constant 1 : i32
      %dma_wait3A_59 = arith.constant 0 : i32
      %dma_wait3A_60 = tpu.memref_slice %arg10[%dma_wait3A_58, %dma_wait3A_59] : memref<24x64xi32, #tpu.memory_space<vmem>> -> memref<1x64xi32, #tpu.memory_space<vmem>>
      %dma_wait3A_61 = tpu.memref_squeeze %dma_wait3A_60 : memref<1x64xi32, #tpu.memory_space<vmem>> -> memref<64xi32, #tpu.memory_space<vmem>>
      %dma_wait3A_62 = arith.constant 0 : i32
      %dma_wait3A_63 = arith.constant 0 : i32
      %dma_wait3A_64 = tpu.memref_slice %arg2[%dma_wait3A_62, %dma_wait3A_63] : memref<20000x128xf32, #tpu.memory_space<hbm>> -> memref<20000x128xf32, #tpu.memory_space<hbm>>
      tpu.wait_indirect_dma semaphore(%arg16 : memref<!tpu.dma_semaphore, #tpu.memory_space<semaphore_mem>>) src(%dma_wait3A_64 : memref<20000x128xf32, #tpu.memory_space<hbm>>) dst(%arg12 : memref<64x128xf32, #tpu.memory_space<vmem>>)
      %dma_wait3A_65 = arith.constant 8 : i32
      %dma_wait3A_66 = arith.constant 0 : i32
      %dma_wait3A_67 = tpu.memref_slice %arg10[%dma_wait3A_65, %dma_wait3A_66] : memref<24x64xi32, #tpu.memory_space<vmem>> -> memref<1x64xi32, #tpu.memory_space<vmem>>
      %dma_wait3A_68 = tpu.memref_squeeze %dma_wait3A_67 : memref<1x64xi32, #tpu.memory_space<vmem>> -> memref<64xi32, #tpu.memory_space<vmem>>
      %dma_wait3A_69 = arith.constant 0 : i32
      %dma_wait3A_70 = arith.constant 0 : i32
      %dma_wait3A_71 = tpu.memref_slice %arg8[%dma_wait3A_69, %dma_wait3A_70] : memref<10112x128xf32, #tpu.memory_space<vmem_shared>> -> memref<10112x128xf32, #tpu.memory_space<vmem_shared>>
      tpu.wait_indirect_dma semaphore(%arg19 : memref<!tpu.dma_semaphore, #tpu.memory_space<semaphore_mem>>) src(%arg11 : memref<64x128xf32, #tpu.memory_space<vmem>>) dst(%dma_wait3A_71 : memref<10112x128xf32, #tpu.memory_space<vmem_shared>>)
      %dma_start3A_72 = arith.constant 3 : i32
      %dma_start3A_73 = arith.constant 0 : i32
      %dma_start3A_74 = tpu.memref_slice %arg10[%dma_start3A_72, %dma_start3A_73] : memref<24x64xi32, #tpu.memory_space<vmem>> -> memref<1x64xi32, #tpu.memory_space<vmem>>
      %dma_start3A_75 = tpu.memref_squeeze %dma_start3A_74 : memref<1x64xi32, #tpu.memory_space<vmem>> -> memref<64xi32, #tpu.memory_space<vmem>>
      %dma_start3A_76 = arith.constant 0 : i32
      %dma_start3A_77 = arith.constant 0 : i32
      %dma_start3A_78 = tpu.memref_slice %arg2[%dma_start3A_76, %dma_start3A_77] : memref<20000x128xf32, #tpu.memory_space<hbm>> -> memref<20000x128xf32, #tpu.memory_space<hbm>>
      tpu.enqueue_indirect_dma source(%dma_start3A_78 : memref<20000x128xf32, #tpu.memory_space<hbm>>) target(%arg11 : memref<64x128xf32, #tpu.memory_space<vmem>>) offsets(%dma_start3A_75 : memref<64xi32, #tpu.memory_space<vmem>>) semaphore(%arg15 : memref<!tpu.dma_semaphore, #tpu.memory_space<semaphore_mem>>)
      %dma_start3A_79 = arith.constant 9 : i32
      %dma_start3A_80 = arith.constant 0 : i32
      %dma_start3A_81 = tpu.memref_slice %arg10[%dma_start3A_79, %dma_start3A_80] : memref<24x64xi32, #tpu.memory_space<vmem>> -> memref<1x64xi32, #tpu.memory_space<vmem>>
      %dma_start3A_82 = tpu.memref_squeeze %dma_start3A_81 : memref<1x64xi32, #tpu.memory_space<vmem>> -> memref<64xi32, #tpu.memory_space<vmem>>
      %dma_start3A_83 = arith.constant 0 : i32
      %dma_start3A_84 = arith.constant 0 : i32
      %dma_start3A_85 = tpu.memref_slice %arg8[%dma_start3A_83, %dma_start3A_84] : memref<10112x128xf32, #tpu.memory_space<vmem_shared>> -> memref<10112x128xf32, #tpu.memory_space<vmem_shared>>
      tpu.enqueue_indirect_dma source(%arg12 : memref<64x128xf32, #tpu.memory_space<vmem>>) target(%dma_start3A_85 : memref<10112x128xf32, #tpu.memory_space<vmem_shared>>) offsets(%dma_start3A_82 : memref<64xi32, #tpu.memory_space<vmem>>) semaphore(%arg20 : memref<!tpu.dma_semaphore, #tpu.memory_space<semaphore_mem>>) {add = true}
      %dma_wait3A_86 = arith.constant 16 : i32
      %dma_wait3A_87 = arith.constant 0 : i32
      %dma_wait3A_88 = tpu.memref_slice %arg10[%dma_wait3A_86, %dma_wait3A_87] : memref<24x64xi32, #tpu.memory_space<vmem>> -> memref<1x64xi32, #tpu.memory_space<vmem>>
      %dma_wait3A_89 = tpu.memref_squeeze %dma_wait3A_88 : memref<1x64xi32, #tpu.memory_space<vmem>> -> memref<64xi32, #tpu.memory_space<vmem>>
      %dma_wait3A_90 = arith.constant 0 : i32
      %dma_wait3A_91 = arith.constant 0 : i32
      %dma_wait3A_92 = tpu.memref_slice %arg3[%dma_wait3A_90, %dma_wait3A_91] : memref<4096x128xf32, #tpu.memory_space<hbm>> -> memref<4096x128xf32, #tpu.memory_space<hbm>>
      tpu.wait_indirect_dma semaphore(%arg17 : memref<!tpu.dma_semaphore, #tpu.memory_space<semaphore_mem>>) src(%dma_wait3A_92 : memref<4096x128xf32, #tpu.memory_space<hbm>>) dst(%arg13 : memref<64x128xf32, #tpu.memory_space<vmem>>)
      %dma_wait3A_93 = arith.constant 9 : i32
      %dma_wait3A_94 = arith.constant 0 : i32
      %dma_wait3A_95 = tpu.memref_slice %arg10[%dma_wait3A_93, %dma_wait3A_94] : memref<24x64xi32, #tpu.memory_space<vmem>> -> memref<1x64xi32, #tpu.memory_space<vmem>>
      %dma_wait3A_96 = tpu.memref_squeeze %dma_wait3A_95 : memref<1x64xi32, #tpu.memory_space<vmem>> -> memref<64xi32, #tpu.memory_space<vmem>>
      %dma_wait3A_97 = arith.constant 0 : i32
      %dma_wait3A_98 = arith.constant 0 : i32
      %dma_wait3A_99 = tpu.memref_slice %arg8[%dma_wait3A_97, %dma_wait3A_98] : memref<10112x128xf32, #tpu.memory_space<vmem_shared>> -> memref<10112x128xf32, #tpu.memory_space<vmem_shared>>
      tpu.wait_indirect_dma semaphore(%arg20 : memref<!tpu.dma_semaphore, #tpu.memory_space<semaphore_mem>>) src(%arg12 : memref<64x128xf32, #tpu.memory_space<vmem>>) dst(%dma_wait3A_99 : memref<10112x128xf32, #tpu.memory_space<vmem_shared>>)
      %dma_start3A_100 = arith.constant 17 : i32
      %dma_start3A_101 = arith.constant 0 : i32
      %dma_start3A_102 = tpu.memref_slice %arg10[%dma_start3A_100, %dma_start3A_101] : memref<24x64xi32, #tpu.memory_space<vmem>> -> memref<1x64xi32, #tpu.memory_space<vmem>>
      %dma_start3A_103 = tpu.memref_squeeze %dma_start3A_102 : memref<1x64xi32, #tpu.memory_space<vmem>> -> memref<64xi32, #tpu.memory_space<vmem>>
      %dma_start3A_104 = arith.constant 0 : i32
      %dma_start3A_105 = arith.constant 0 : i32
      %dma_start3A_106 = tpu.memref_slice %arg3[%dma_start3A_104, %dma_start3A_105] : memref<4096x128xf32, #tpu.memory_space<hbm>> -> memref<4096x128xf32, #tpu.memory_space<hbm>>
      tpu.enqueue_indirect_dma source(%dma_start3A_106 : memref<4096x128xf32, #tpu.memory_space<hbm>>) target(%arg12 : memref<64x128xf32, #tpu.memory_space<vmem>>) offsets(%dma_start3A_103 : memref<64xi32, #tpu.memory_space<vmem>>) semaphore(%arg16 : memref<!tpu.dma_semaphore, #tpu.memory_space<semaphore_mem>>)
      %dma_start3A_107 = arith.constant 20 : i32
      %dma_start3A_108 = arith.constant 0 : i32
      %dma_start3A_109 = tpu.memref_slice %arg10[%dma_start3A_107, %dma_start3A_108] : memref<24x64xi32, #tpu.memory_space<vmem>> -> memref<1x64xi32, #tpu.memory_space<vmem>>
      %dma_start3A_110 = tpu.memref_squeeze %dma_start3A_109 : memref<1x64xi32, #tpu.memory_space<vmem>> -> memref<64xi32, #tpu.memory_space<vmem>>
      %dma_start3A_111 = arith.constant 0 : i32
      %dma_start3A_112 = arith.constant 0 : i32
      %dma_start3A_113 = tpu.memref_slice %arg9[%dma_start3A_111, %dma_start3A_112] : memref<80x128xf32, #tpu.memory_space<vmem_shared>> -> memref<80x128xf32, #tpu.memory_space<vmem_shared>>
      tpu.enqueue_indirect_dma source(%arg13 : memref<64x128xf32, #tpu.memory_space<vmem>>) target(%dma_start3A_113 : memref<80x128xf32, #tpu.memory_space<vmem_shared>>) offsets(%dma_start3A_110 : memref<64xi32, #tpu.memory_space<vmem>>) semaphore(%arg21 : memref<!tpu.dma_semaphore, #tpu.memory_space<semaphore_mem>>) {add = true}
      %dma_wait3A_114 = arith.constant 2 : i32
      %dma_wait3A_115 = arith.constant 0 : i32
      %dma_wait3A_116 = tpu.memref_slice %arg10[%dma_wait3A_114, %dma_wait3A_115] : memref<24x64xi32, #tpu.memory_space<vmem>> -> memref<1x64xi32, #tpu.memory_space<vmem>>
      %dma_wait3A_117 = tpu.memref_squeeze %dma_wait3A_116 : memref<1x64xi32, #tpu.memory_space<vmem>> -> memref<64xi32, #tpu.memory_space<vmem>>
      %dma_wait3A_118 = arith.constant 0 : i32
      %dma_wait3A_119 = arith.constant 0 : i32
      %dma_wait3A_120 = tpu.memref_slice %arg2[%dma_wait3A_118, %dma_wait3A_119] : memref<20000x128xf32, #tpu.memory_space<hbm>> -> memref<20000x128xf32, #tpu.memory_space<hbm>>
      tpu.wait_indirect_dma semaphore(%arg18 : memref<!tpu.dma_semaphore, #tpu.memory_space<semaphore_mem>>) src(%dma_wait3A_120 : memref<20000x128xf32, #tpu.memory_space<hbm>>) dst(%arg14 : memref<64x128xf32, #tpu.memory_space<vmem>>)
      %dma_wait3A_121 = arith.constant 20 : i32
      %dma_wait3A_122 = arith.constant 0 : i32
      %dma_wait3A_123 = tpu.memref_slice %arg10[%dma_wait3A_121, %dma_wait3A_122] : memref<24x64xi32, #tpu.memory_space<vmem>> -> memref<1x64xi32, #tpu.memory_space<vmem>>
      %dma_wait3A_124 = tpu.memref_squeeze %dma_wait3A_123 : memref<1x64xi32, #tpu.memory_space<vmem>> -> memref<64xi32, #tpu.memory_space<vmem>>
      %dma_wait3A_125 = arith.constant 0 : i32
      %dma_wait3A_126 = arith.constant 0 : i32
      %dma_wait3A_127 = tpu.memref_slice %arg9[%dma_wait3A_125, %dma_wait3A_126] : memref<80x128xf32, #tpu.memory_space<vmem_shared>> -> memref<80x128xf32, #tpu.memory_space<vmem_shared>>
      tpu.wait_indirect_dma semaphore(%arg21 : memref<!tpu.dma_semaphore, #tpu.memory_space<semaphore_mem>>) src(%arg13 : memref<64x128xf32, #tpu.memory_space<vmem>>) dst(%dma_wait3A_127 : memref<80x128xf32, #tpu.memory_space<vmem_shared>>)
      %dma_start3A_128 = arith.constant 4 : i32
      %dma_start3A_129 = arith.constant 0 : i32
      %dma_start3A_130 = tpu.memref_slice %arg10[%dma_start3A_128, %dma_start3A_129] : memref<24x64xi32, #tpu.memory_space<vmem>> -> memref<1x64xi32, #tpu.memory_space<vmem>>
      %dma_start3A_131 = tpu.memref_squeeze %dma_start3A_130 : memref<1x64xi32, #tpu.memory_space<vmem>> -> memref<64xi32, #tpu.memory_space<vmem>>
      %dma_start3A_132 = arith.constant 0 : i32
      %dma_start3A_133 = arith.constant 0 : i32
      %dma_start3A_134 = tpu.memref_slice %arg2[%dma_start3A_132, %dma_start3A_133] : memref<20000x128xf32, #tpu.memory_space<hbm>> -> memref<20000x128xf32, #tpu.memory_space<hbm>>
      tpu.enqueue_indirect_dma source(%dma_start3A_134 : memref<20000x128xf32, #tpu.memory_space<hbm>>) target(%arg13 : memref<64x128xf32, #tpu.memory_space<vmem>>) offsets(%dma_start3A_131 : memref<64xi32, #tpu.memory_space<vmem>>) semaphore(%arg17 : memref<!tpu.dma_semaphore, #tpu.memory_space<semaphore_mem>>)
      %dma_start3A_135 = arith.constant 10 : i32
      %dma_start3A_136 = arith.constant 0 : i32
      %dma_start3A_137 = tpu.memref_slice %arg10[%dma_start3A_135, %dma_start3A_136] : memref<24x64xi32, #tpu.memory_space<vmem>> -> memref<1x64xi32, #tpu.memory_space<vmem>>
      %dma_start3A_138 = tpu.memref_squeeze %dma_start3A_137 : memref<1x64xi32, #tpu.memory_space<vmem>> -> memref<64xi32, #tpu.memory_space<vmem>>
      %dma_start3A_139 = arith.constant 0 : i32
      %dma_start3A_140 = arith.constant 0 : i32
      %dma_start3A_141 = tpu.memref_slice %arg8[%dma_start3A_139, %dma_start3A_140] : memref<10112x128xf32, #tpu.memory_space<vmem_shared>> -> memref<10112x128xf32, #tpu.memory_space<vmem_shared>>
      tpu.enqueue_indirect_dma source(%arg14 : memref<64x128xf32, #tpu.memory_space<vmem>>) target(%dma_start3A_141 : memref<10112x128xf32, #tpu.memory_space<vmem_shared>>) offsets(%dma_start3A_138 : memref<64xi32, #tpu.memory_space<vmem>>) semaphore(%arg22 : memref<!tpu.dma_semaphore, #tpu.memory_space<semaphore_mem>>) {add = true}
      %dma_wait3A_142 = arith.constant 3 : i32
      %dma_wait3A_143 = arith.constant 0 : i32
      %dma_wait3A_144 = tpu.memref_slice %arg10[%dma_wait3A_142, %dma_wait3A_143] : memref<24x64xi32, #tpu.memory_space<vmem>> -> memref<1x64xi32, #tpu.memory_space<vmem>>
      %dma_wait3A_145 = tpu.memref_squeeze %dma_wait3A_144 : memref<1x64xi32, #tpu.memory_space<vmem>> -> memref<64xi32, #tpu.memory_space<vmem>>
      %dma_wait3A_146 = arith.constant 0 : i32
      %dma_wait3A_147 = arith.constant 0 : i32
      %dma_wait3A_148 = tpu.memref_slice %arg2[%dma_wait3A_146, %dma_wait3A_147] : memref<20000x128xf32, #tpu.memory_space<hbm>> -> memref<20000x128xf32, #tpu.memory_space<hbm>>
      tpu.wait_indirect_dma semaphore(%arg15 : memref<!tpu.dma_semaphore, #tpu.memory_space<semaphore_mem>>) src(%dma_wait3A_148 : memref<20000x128xf32, #tpu.memory_space<hbm>>) dst(%arg11 : memref<64x128xf32, #tpu.memory_space<vmem>>)
      %dma_wait3A_149 = arith.constant 10 : i32
      %dma_wait3A_150 = arith.constant 0 : i32
      %dma_wait3A_151 = tpu.memref_slice %arg10[%dma_wait3A_149, %dma_wait3A_150] : memref<24x64xi32, #tpu.memory_space<vmem>> -> memref<1x64xi32, #tpu.memory_space<vmem>>
      %dma_wait3A_152 = tpu.memref_squeeze %dma_wait3A_151 : memref<1x64xi32, #tpu.memory_space<vmem>> -> memref<64xi32, #tpu.memory_space<vmem>>
      %dma_wait3A_153 = arith.constant 0 : i32
      %dma_wait3A_154 = arith.constant 0 : i32
      %dma_wait3A_155 = tpu.memref_slice %arg8[%dma_wait3A_153, %dma_wait3A_154] : memref<10112x128xf32, #tpu.memory_space<vmem_shared>> -> memref<10112x128xf32, #tpu.memory_space<vmem_shared>>
      tpu.wait_indirect_dma semaphore(%arg22 : memref<!tpu.dma_semaphore, #tpu.memory_space<semaphore_mem>>) src(%arg14 : memref<64x128xf32, #tpu.memory_space<vmem>>) dst(%dma_wait3A_155 : memref<10112x128xf32, #tpu.memory_space<vmem_shared>>)
      %dma_start3A_156 = arith.constant 5 : i32
      %dma_start3A_157 = arith.constant 0 : i32
      %dma_start3A_158 = tpu.memref_slice %arg10[%dma_start3A_156, %dma_start3A_157] : memref<24x64xi32, #tpu.memory_space<vmem>> -> memref<1x64xi32, #tpu.memory_space<vmem>>
      %dma_start3A_159 = tpu.memref_squeeze %dma_start3A_158 : memref<1x64xi32, #tpu.memory_space<vmem>> -> memref<64xi32, #tpu.memory_space<vmem>>
      %dma_start3A_160 = arith.constant 0 : i32
      %dma_start3A_161 = arith.constant 0 : i32
      %dma_start3A_162 = tpu.memref_slice %arg2[%dma_start3A_160, %dma_start3A_161] : memref<20000x128xf32, #tpu.memory_space<hbm>> -> memref<20000x128xf32, #tpu.memory_space<hbm>>
      tpu.enqueue_indirect_dma source(%dma_start3A_162 : memref<20000x128xf32, #tpu.memory_space<hbm>>) target(%arg14 : memref<64x128xf32, #tpu.memory_space<vmem>>) offsets(%dma_start3A_159 : memref<64xi32, #tpu.memory_space<vmem>>) semaphore(%arg18 : memref<!tpu.dma_semaphore, #tpu.memory_space<semaphore_mem>>)
      %dma_start3A_163 = arith.constant 11 : i32
      %dma_start3A_164 = arith.constant 0 : i32
      %dma_start3A_165 = tpu.memref_slice %arg10[%dma_start3A_163, %dma_start3A_164] : memref<24x64xi32, #tpu.memory_space<vmem>> -> memref<1x64xi32, #tpu.memory_space<vmem>>
      %dma_start3A_166 = tpu.memref_squeeze %dma_start3A_165 : memref<1x64xi32, #tpu.memory_space<vmem>> -> memref<64xi32, #tpu.memory_space<vmem>>
      %dma_start3A_167 = arith.constant 0 : i32
      %dma_start3A_168 = arith.constant 0 : i32
      %dma_start3A_169 = tpu.memref_slice %arg8[%dma_start3A_167, %dma_start3A_168] : memref<10112x128xf32, #tpu.memory_space<vmem_shared>> -> memref<10112x128xf32, #tpu.memory_space<vmem_shared>>
      tpu.enqueue_indirect_dma source(%arg11 : memref<64x128xf32, #tpu.memory_space<vmem>>) target(%dma_start3A_169 : memref<10112x128xf32, #tpu.memory_space<vmem_shared>>) offsets(%dma_start3A_166 : memref<64xi32, #tpu.memory_space<vmem>>) semaphore(%arg19 : memref<!tpu.dma_semaphore, #tpu.memory_space<semaphore_mem>>) {add = true}
      %dma_wait3A_170 = arith.constant 17 : i32
      %dma_wait3A_171 = arith.constant 0 : i32
      %dma_wait3A_172 = tpu.memref_slice %arg10[%dma_wait3A_170, %dma_wait3A_171] : memref<24x64xi32, #tpu.memory_space<vmem>> -> memref<1x64xi32, #tpu.memory_space<vmem>>
      %dma_wait3A_173 = tpu.memref_squeeze %dma_wait3A_172 : memref<1x64xi32, #tpu.memory_space<vmem>> -> memref<64xi32, #tpu.memory_space<vmem>>
      %dma_wait3A_174 = arith.constant 0 : i32
      %dma_wait3A_175 = arith.constant 0 : i32
      %dma_wait3A_176 = tpu.memref_slice %arg3[%dma_wait3A_174, %dma_wait3A_175] : memref<4096x128xf32, #tpu.memory_space<hbm>> -> memref<4096x128xf32, #tpu.memory_space<hbm>>
      tpu.wait_indirect_dma semaphore(%arg16 : memref<!tpu.dma_semaphore, #tpu.memory_space<semaphore_mem>>) src(%dma_wait3A_176 : memref<4096x128xf32, #tpu.memory_space<hbm>>) dst(%arg12 : memref<64x128xf32, #tpu.memory_space<vmem>>)
      %dma_wait3A_177 = arith.constant 11 : i32
      %dma_wait3A_178 = arith.constant 0 : i32
      %dma_wait3A_179 = tpu.memref_slice %arg10[%dma_wait3A_177, %dma_wait3A_178] : memref<24x64xi32, #tpu.memory_space<vmem>> -> memref<1x64xi32, #tpu.memory_space<vmem>>
      %dma_wait3A_180 = tpu.memref_squeeze %dma_wait3A_179 : memref<1x64xi32, #tpu.memory_space<vmem>> -> memref<64xi32, #tpu.memory_space<vmem>>
      %dma_wait3A_181 = arith.constant 0 : i32
      %dma_wait3A_182 = arith.constant 0 : i32
      %dma_wait3A_183 = tpu.memref_slice %arg8[%dma_wait3A_181, %dma_wait3A_182] : memref<10112x128xf32, #tpu.memory_space<vmem_shared>> -> memref<10112x128xf32, #tpu.memory_space<vmem_shared>>
      tpu.wait_indirect_dma semaphore(%arg19 : memref<!tpu.dma_semaphore, #tpu.memory_space<semaphore_mem>>) src(%arg11 : memref<64x128xf32, #tpu.memory_space<vmem>>) dst(%dma_wait3A_183 : memref<10112x128xf32, #tpu.memory_space<vmem_shared>>)
      %dma_start3A_184 = arith.constant 18 : i32
      %dma_start3A_185 = arith.constant 0 : i32
      %dma_start3A_186 = tpu.memref_slice %arg10[%dma_start3A_184, %dma_start3A_185] : memref<24x64xi32, #tpu.memory_space<vmem>> -> memref<1x64xi32, #tpu.memory_space<vmem>>
      %dma_start3A_187 = tpu.memref_squeeze %dma_start3A_186 : memref<1x64xi32, #tpu.memory_space<vmem>> -> memref<64xi32, #tpu.memory_space<vmem>>
      %dma_start3A_188 = arith.constant 0 : i32
      %dma_start3A_189 = arith.constant 0 : i32
      %dma_start3A_190 = tpu.memref_slice %arg3[%dma_start3A_188, %dma_start3A_189] : memref<4096x128xf32, #tpu.memory_space<hbm>> -> memref<4096x128xf32, #tpu.memory_space<hbm>>
      tpu.enqueue_indirect_dma source(%dma_start3A_190 : memref<4096x128xf32, #tpu.memory_space<hbm>>) target(%arg11 : memref<64x128xf32, #tpu.memory_space<vmem>>) offsets(%dma_start3A_187 : memref<64xi32, #tpu.memory_space<vmem>>) semaphore(%arg15 : memref<!tpu.dma_semaphore, #tpu.memory_space<semaphore_mem>>)
      %dma_start3A_191 = arith.constant 21 : i32
      %dma_start3A_192 = arith.constant 0 : i32
      %dma_start3A_193 = tpu.memref_slice %arg10[%dma_start3A_191, %dma_start3A_192] : memref<24x64xi32, #tpu.memory_space<vmem>> -> memref<1x64xi32, #tpu.memory_space<vmem>>
      %dma_start3A_194 = tpu.memref_squeeze %dma_start3A_193 : memref<1x64xi32, #tpu.memory_space<vmem>> -> memref<64xi32, #tpu.memory_space<vmem>>
      %dma_start3A_195 = arith.constant 0 : i32
      %dma_start3A_196 = arith.constant 0 : i32
      %dma_start3A_197 = tpu.memref_slice %arg9[%dma_start3A_195, %dma_start3A_196] : memref<80x128xf32, #tpu.memory_space<vmem_shared>> -> memref<80x128xf32, #tpu.memory_space<vmem_shared>>
      tpu.enqueue_indirect_dma source(%arg12 : memref<64x128xf32, #tpu.memory_space<vmem>>) target(%dma_start3A_197 : memref<80x128xf32, #tpu.memory_space<vmem_shared>>) offsets(%dma_start3A_194 : memref<64xi32, #tpu.memory_space<vmem>>) semaphore(%arg20 : memref<!tpu.dma_semaphore, #tpu.memory_space<semaphore_mem>>) {add = true}
      %dma_wait3A_198 = arith.constant 4 : i32
      %dma_wait3A_199 = arith.constant 0 : i32
      %dma_wait3A_200 = tpu.memref_slice %arg10[%dma_wait3A_198, %dma_wait3A_199] : memref<24x64xi32, #tpu.memory_space<vmem>> -> memref<1x64xi32, #tpu.memory_space<vmem>>
      %dma_wait3A_201 = tpu.memref_squeeze %dma_wait3A_200 : memref<1x64xi32, #tpu.memory_space<vmem>> -> memref<64xi32, #tpu.memory_space<vmem>>
      %dma_wait3A_202 = arith.constant 0 : i32
      %dma_wait3A_203 = arith.constant 0 : i32
      %dma_wait3A_204 = tpu.memref_slice %arg2[%dma_wait3A_202, %dma_wait3A_203] : memref<20000x128xf32, #tpu.memory_space<hbm>> -> memref<20000x128xf32, #tpu.memory_space<hbm>>
      tpu.wait_indirect_dma semaphore(%arg17 : memref<!tpu.dma_semaphore, #tpu.memory_space<semaphore_mem>>) src(%dma_wait3A_204 : memref<20000x128xf32, #tpu.memory_space<hbm>>) dst(%arg13 : memref<64x128xf32, #tpu.memory_space<vmem>>)
      %dma_wait3A_205 = arith.constant 21 : i32
      %dma_wait3A_206 = arith.constant 0 : i32
      %dma_wait3A_207 = tpu.memref_slice %arg10[%dma_wait3A_205, %dma_wait3A_206] : memref<24x64xi32, #tpu.memory_space<vmem>> -> memref<1x64xi32, #tpu.memory_space<vmem>>
      %dma_wait3A_208 = tpu.memref_squeeze %dma_wait3A_207 : memref<1x64xi32, #tpu.memory_space<vmem>> -> memref<64xi32, #tpu.memory_space<vmem>>
      %dma_wait3A_209 = arith.constant 0 : i32
      %dma_wait3A_210 = arith.constant 0 : i32
      %dma_wait3A_211 = tpu.memref_slice %arg9[%dma_wait3A_209, %dma_wait3A_210] : memref<80x128xf32, #tpu.memory_space<vmem_shared>> -> memref<80x128xf32, #tpu.memory_space<vmem_shared>>
      tpu.wait_indirect_dma semaphore(%arg20 : memref<!tpu.dma_semaphore, #tpu.memory_space<semaphore_mem>>) src(%arg12 : memref<64x128xf32, #tpu.memory_space<vmem>>) dst(%dma_wait3A_211 : memref<80x128xf32, #tpu.memory_space<vmem_shared>>)
      %dma_start3A_212 = arith.constant 6 : i32
      %dma_start3A_213 = arith.constant 0 : i32
      %dma_start3A_214 = tpu.memref_slice %arg10[%dma_start3A_212, %dma_start3A_213] : memref<24x64xi32, #tpu.memory_space<vmem>> -> memref<1x64xi32, #tpu.memory_space<vmem>>
      %dma_start3A_215 = tpu.memref_squeeze %dma_start3A_214 : memref<1x64xi32, #tpu.memory_space<vmem>> -> memref<64xi32, #tpu.memory_space<vmem>>
      %dma_start3A_216 = arith.constant 0 : i32
      %dma_start3A_217 = arith.constant 0 : i32
      %dma_start3A_218 = tpu.memref_slice %arg2[%dma_start3A_216, %dma_start3A_217] : memref<20000x128xf32, #tpu.memory_space<hbm>> -> memref<20000x128xf32, #tpu.memory_space<hbm>>
      tpu.enqueue_indirect_dma source(%dma_start3A_218 : memref<20000x128xf32, #tpu.memory_space<hbm>>) target(%arg12 : memref<64x128xf32, #tpu.memory_space<vmem>>) offsets(%dma_start3A_215 : memref<64xi32, #tpu.memory_space<vmem>>) semaphore(%arg16 : memref<!tpu.dma_semaphore, #tpu.memory_space<semaphore_mem>>)
      %dma_start3A_219 = arith.constant 12 : i32
      %dma_start3A_220 = arith.constant 0 : i32
      %dma_start3A_221 = tpu.memref_slice %arg10[%dma_start3A_219, %dma_start3A_220] : memref<24x64xi32, #tpu.memory_space<vmem>> -> memref<1x64xi32, #tpu.memory_space<vmem>>
      %dma_start3A_222 = tpu.memref_squeeze %dma_start3A_221 : memref<1x64xi32, #tpu.memory_space<vmem>> -> memref<64xi32, #tpu.memory_space<vmem>>
      %dma_start3A_223 = arith.constant 0 : i32
      %dma_start3A_224 = arith.constant 0 : i32
      %dma_start3A_225 = tpu.memref_slice %arg8[%dma_start3A_223, %dma_start3A_224] : memref<10112x128xf32, #tpu.memory_space<vmem_shared>> -> memref<10112x128xf32, #tpu.memory_space<vmem_shared>>
      tpu.enqueue_indirect_dma source(%arg13 : memref<64x128xf32, #tpu.memory_space<vmem>>) target(%dma_start3A_225 : memref<10112x128xf32, #tpu.memory_space<vmem_shared>>) offsets(%dma_start3A_222 : memref<64xi32, #tpu.memory_space<vmem>>) semaphore(%arg21 : memref<!tpu.dma_semaphore, #tpu.memory_space<semaphore_mem>>) {add = true}
      %dma_wait3A_226 = arith.constant 5 : i32
      %dma_wait3A_227 = arith.constant 0 : i32
      %dma_wait3A_228 = tpu.memref_slice %arg10[%dma_wait3A_226, %dma_wait3A_227] : memref<24x64xi32, #tpu.memory_space<vmem>> -> memref<1x64xi32, #tpu.memory_space<vmem>>
      %dma_wait3A_229 = tpu.memref_squeeze %dma_wait3A_228 : memref<1x64xi32, #tpu.memory_space<vmem>> -> memref<64xi32, #tpu.memory_space<vmem>>
      %dma_wait3A_230 = arith.constant 0 : i32
      %dma_wait3A_231 = arith.constant 0 : i32
      %dma_wait3A_232 = tpu.memref_slice %arg2[%dma_wait3A_230, %dma_wait3A_231] : memref<20000x128xf32, #tpu.memory_space<hbm>> -> memref<20000x128xf32, #tpu.memory_space<hbm>>
      tpu.wait_indirect_dma semaphore(%arg18 : memref<!tpu.dma_semaphore, #tpu.memory_space<semaphore_mem>>) src(%dma_wait3A_232 : memref<20000x128xf32, #tpu.memory_space<hbm>>) dst(%arg14 : memref<64x128xf32, #tpu.memory_space<vmem>>)
      %dma_wait3A_233 = arith.constant 12 : i32
      %dma_wait3A_234 = arith.constant 0 : i32
      %dma_wait3A_235 = tpu.memref_slice %arg10[%dma_wait3A_233, %dma_wait3A_234] : memref<24x64xi32, #tpu.memory_space<vmem>> -> memref<1x64xi32, #tpu.memory_space<vmem>>
      %dma_wait3A_236 = tpu.memref_squeeze %dma_wait3A_235 : memref<1x64xi32, #tpu.memory_space<vmem>> -> memref<64xi32, #tpu.memory_space<vmem>>
      %dma_wait3A_237 = arith.constant 0 : i32
      %dma_wait3A_238 = arith.constant 0 : i32
      %dma_wait3A_239 = tpu.memref_slice %arg8[%dma_wait3A_237, %dma_wait3A_238] : memref<10112x128xf32, #tpu.memory_space<vmem_shared>> -> memref<10112x128xf32, #tpu.memory_space<vmem_shared>>
      tpu.wait_indirect_dma semaphore(%arg21 : memref<!tpu.dma_semaphore, #tpu.memory_space<semaphore_mem>>) src(%arg13 : memref<64x128xf32, #tpu.memory_space<vmem>>) dst(%dma_wait3A_239 : memref<10112x128xf32, #tpu.memory_space<vmem_shared>>)
      %dma_start3A_240 = arith.constant 7 : i32
      %dma_start3A_241 = arith.constant 0 : i32
      %dma_start3A_242 = tpu.memref_slice %arg10[%dma_start3A_240, %dma_start3A_241] : memref<24x64xi32, #tpu.memory_space<vmem>> -> memref<1x64xi32, #tpu.memory_space<vmem>>
      %dma_start3A_243 = tpu.memref_squeeze %dma_start3A_242 : memref<1x64xi32, #tpu.memory_space<vmem>> -> memref<64xi32, #tpu.memory_space<vmem>>
      %dma_start3A_244 = arith.constant 0 : i32
      %dma_start3A_245 = arith.constant 0 : i32
      %dma_start3A_246 = tpu.memref_slice %arg2[%dma_start3A_244, %dma_start3A_245] : memref<20000x128xf32, #tpu.memory_space<hbm>> -> memref<20000x128xf32, #tpu.memory_space<hbm>>
      tpu.enqueue_indirect_dma source(%dma_start3A_246 : memref<20000x128xf32, #tpu.memory_space<hbm>>) target(%arg13 : memref<64x128xf32, #tpu.memory_space<vmem>>) offsets(%dma_start3A_243 : memref<64xi32, #tpu.memory_space<vmem>>) semaphore(%arg17 : memref<!tpu.dma_semaphore, #tpu.memory_space<semaphore_mem>>)
      %dma_start3A_247 = arith.constant 13 : i32
      %dma_start3A_248 = arith.constant 0 : i32
      %dma_start3A_249 = tpu.memref_slice %arg10[%dma_start3A_247, %dma_start3A_248] : memref<24x64xi32, #tpu.memory_space<vmem>> -> memref<1x64xi32, #tpu.memory_space<vmem>>
      %dma_start3A_250 = tpu.memref_squeeze %dma_start3A_249 : memref<1x64xi32, #tpu.memory_space<vmem>> -> memref<64xi32, #tpu.memory_space<vmem>>
      %dma_start3A_251 = arith.constant 0 : i32
      %dma_start3A_252 = arith.constant 0 : i32
      %dma_start3A_253 = tpu.memref_slice %arg8[%dma_start3A_251, %dma_start3A_252] : memref<10112x128xf32, #tpu.memory_space<vmem_shared>> -> memref<10112x128xf32, #tpu.memory_space<vmem_shared>>
      tpu.enqueue_indirect_dma source(%arg14 : memref<64x128xf32, #tpu.memory_space<vmem>>) target(%dma_start3A_253 : memref<10112x128xf32, #tpu.memory_space<vmem_shared>>) offsets(%dma_start3A_250 : memref<64xi32, #tpu.memory_space<vmem>>) semaphore(%arg22 : memref<!tpu.dma_semaphore, #tpu.memory_space<semaphore_mem>>) {add = true}
      %dma_wait3A_254 = arith.constant 18 : i32
      %dma_wait3A_255 = arith.constant 0 : i32
      %dma_wait3A_256 = tpu.memref_slice %arg10[%dma_wait3A_254, %dma_wait3A_255] : memref<24x64xi32, #tpu.memory_space<vmem>> -> memref<1x64xi32, #tpu.memory_space<vmem>>
      %dma_wait3A_257 = tpu.memref_squeeze %dma_wait3A_256 : memref<1x64xi32, #tpu.memory_space<vmem>> -> memref<64xi32, #tpu.memory_space<vmem>>
      %dma_wait3A_258 = arith.constant 0 : i32
      %dma_wait3A_259 = arith.constant 0 : i32
      %dma_wait3A_260 = tpu.memref_slice %arg3[%dma_wait3A_258, %dma_wait3A_259] : memref<4096x128xf32, #tpu.memory_space<hbm>> -> memref<4096x128xf32, #tpu.memory_space<hbm>>
      tpu.wait_indirect_dma semaphore(%arg15 : memref<!tpu.dma_semaphore, #tpu.memory_space<semaphore_mem>>) src(%dma_wait3A_260 : memref<4096x128xf32, #tpu.memory_space<hbm>>) dst(%arg11 : memref<64x128xf32, #tpu.memory_space<vmem>>)
      %dma_wait3A_261 = arith.constant 13 : i32
      %dma_wait3A_262 = arith.constant 0 : i32
      %dma_wait3A_263 = tpu.memref_slice %arg10[%dma_wait3A_261, %dma_wait3A_262] : memref<24x64xi32, #tpu.memory_space<vmem>> -> memref<1x64xi32, #tpu.memory_space<vmem>>
      %dma_wait3A_264 = tpu.memref_squeeze %dma_wait3A_263 : memref<1x64xi32, #tpu.memory_space<vmem>> -> memref<64xi32, #tpu.memory_space<vmem>>
      %dma_wait3A_265 = arith.constant 0 : i32
      %dma_wait3A_266 = arith.constant 0 : i32
      %dma_wait3A_267 = tpu.memref_slice %arg8[%dma_wait3A_265, %dma_wait3A_266] : memref<10112x128xf32, #tpu.memory_space<vmem_shared>> -> memref<10112x128xf32, #tpu.memory_space<vmem_shared>>
      tpu.wait_indirect_dma semaphore(%arg22 : memref<!tpu.dma_semaphore, #tpu.memory_space<semaphore_mem>>) src(%arg14 : memref<64x128xf32, #tpu.memory_space<vmem>>) dst(%dma_wait3A_267 : memref<10112x128xf32, #tpu.memory_space<vmem_shared>>)
      %dma_start3A_268 = arith.constant 19 : i32
      %dma_start3A_269 = arith.constant 0 : i32
      %dma_start3A_270 = tpu.memref_slice %arg10[%dma_start3A_268, %dma_start3A_269] : memref<24x64xi32, #tpu.memory_space<vmem>> -> memref<1x64xi32, #tpu.memory_space<vmem>>
      %dma_start3A_271 = tpu.memref_squeeze %dma_start3A_270 : memref<1x64xi32, #tpu.memory_space<vmem>> -> memref<64xi32, #tpu.memory_space<vmem>>
      %dma_start3A_272 = arith.constant 0 : i32
      %dma_start3A_273 = arith.constant 0 : i32
      %dma_start3A_274 = tpu.memref_slice %arg3[%dma_start3A_272, %dma_start3A_273] : memref<4096x128xf32, #tpu.memory_space<hbm>> -> memref<4096x128xf32, #tpu.memory_space<hbm>>
      tpu.enqueue_indirect_dma source(%dma_start3A_274 : memref<4096x128xf32, #tpu.memory_space<hbm>>) target(%arg14 : memref<64x128xf32, #tpu.memory_space<vmem>>) offsets(%dma_start3A_271 : memref<64xi32, #tpu.memory_space<vmem>>) semaphore(%arg18 : memref<!tpu.dma_semaphore, #tpu.memory_space<semaphore_mem>>)
      %dma_start3A_275 = arith.constant 22 : i32
      %dma_start3A_276 = arith.constant 0 : i32
      %dma_start3A_277 = tpu.memref_slice %arg10[%dma_start3A_275, %dma_start3A_276] : memref<24x64xi32, #tpu.memory_space<vmem>> -> memref<1x64xi32, #tpu.memory_space<vmem>>
      %dma_start3A_278 = tpu.memref_squeeze %dma_start3A_277 : memref<1x64xi32, #tpu.memory_space<vmem>> -> memref<64xi32, #tpu.memory_space<vmem>>
      %dma_start3A_279 = arith.constant 0 : i32
      %dma_start3A_280 = arith.constant 0 : i32
      %dma_start3A_281 = tpu.memref_slice %arg9[%dma_start3A_279, %dma_start3A_280] : memref<80x128xf32, #tpu.memory_space<vmem_shared>> -> memref<80x128xf32, #tpu.memory_space<vmem_shared>>
      tpu.enqueue_indirect_dma source(%arg11 : memref<64x128xf32, #tpu.memory_space<vmem>>) target(%dma_start3A_281 : memref<80x128xf32, #tpu.memory_space<vmem_shared>>) offsets(%dma_start3A_278 : memref<64xi32, #tpu.memory_space<vmem>>) semaphore(%arg19 : memref<!tpu.dma_semaphore, #tpu.memory_space<semaphore_mem>>) {add = true}
      %dma_wait3A_282 = arith.constant 6 : i32
      %dma_wait3A_283 = arith.constant 0 : i32
      %dma_wait3A_284 = tpu.memref_slice %arg10[%dma_wait3A_282, %dma_wait3A_283] : memref<24x64xi32, #tpu.memory_space<vmem>> -> memref<1x64xi32, #tpu.memory_space<vmem>>
      %dma_wait3A_285 = tpu.memref_squeeze %dma_wait3A_284 : memref<1x64xi32, #tpu.memory_space<vmem>> -> memref<64xi32, #tpu.memory_space<vmem>>
      %dma_wait3A_286 = arith.constant 0 : i32
      %dma_wait3A_287 = arith.constant 0 : i32
      %dma_wait3A_288 = tpu.memref_slice %arg2[%dma_wait3A_286, %dma_wait3A_287] : memref<20000x128xf32, #tpu.memory_space<hbm>> -> memref<20000x128xf32, #tpu.memory_space<hbm>>
      tpu.wait_indirect_dma semaphore(%arg16 : memref<!tpu.dma_semaphore, #tpu.memory_space<semaphore_mem>>) src(%dma_wait3A_288 : memref<20000x128xf32, #tpu.memory_space<hbm>>) dst(%arg12 : memref<64x128xf32, #tpu.memory_space<vmem>>)
      %dma_start3A_289 = arith.constant 14 : i32
      %dma_start3A_290 = arith.constant 0 : i32
      %dma_start3A_291 = tpu.memref_slice %arg10[%dma_start3A_289, %dma_start3A_290] : memref<24x64xi32, #tpu.memory_space<vmem>> -> memref<1x64xi32, #tpu.memory_space<vmem>>
      %dma_start3A_292 = tpu.memref_squeeze %dma_start3A_291 : memref<1x64xi32, #tpu.memory_space<vmem>> -> memref<64xi32, #tpu.memory_space<vmem>>
      %dma_start3A_293 = arith.constant 0 : i32
      %dma_start3A_294 = arith.constant 0 : i32
      %dma_start3A_295 = tpu.memref_slice %arg8[%dma_start3A_293, %dma_start3A_294] : memref<10112x128xf32, #tpu.memory_space<vmem_shared>> -> memref<10112x128xf32, #tpu.memory_space<vmem_shared>>
      tpu.enqueue_indirect_dma source(%arg12 : memref<64x128xf32, #tpu.memory_space<vmem>>) target(%dma_start3A_295 : memref<10112x128xf32, #tpu.memory_space<vmem_shared>>) offsets(%dma_start3A_292 : memref<64xi32, #tpu.memory_space<vmem>>) semaphore(%arg20 : memref<!tpu.dma_semaphore, #tpu.memory_space<semaphore_mem>>) {add = true}
      %dma_wait3A_296 = arith.constant 7 : i32
      %dma_wait3A_297 = arith.constant 0 : i32
      %dma_wait3A_298 = tpu.memref_slice %arg10[%dma_wait3A_296, %dma_wait3A_297] : memref<24x64xi32, #tpu.memory_space<vmem>> -> memref<1x64xi32, #tpu.memory_space<vmem>>
      %dma_wait3A_299 = tpu.memref_squeeze %dma_wait3A_298 : memref<1x64xi32, #tpu.memory_space<vmem>> -> memref<64xi32, #tpu.memory_space<vmem>>
      %dma_wait3A_300 = arith.constant 0 : i32
      %dma_wait3A_301 = arith.constant 0 : i32
      %dma_wait3A_302 = tpu.memref_slice %arg2[%dma_wait3A_300, %dma_wait3A_301] : memref<20000x128xf32, #tpu.memory_space<hbm>> -> memref<20000x128xf32, #tpu.memory_space<hbm>>
      tpu.wait_indirect_dma semaphore(%arg17 : memref<!tpu.dma_semaphore, #tpu.memory_space<semaphore_mem>>) src(%dma_wait3A_302 : memref<20000x128xf32, #tpu.memory_space<hbm>>) dst(%arg13 : memref<64x128xf32, #tpu.memory_space<vmem>>)
      %dma_start3A_303 = arith.constant 15 : i32
      %dma_start3A_304 = arith.constant 0 : i32
      %dma_start3A_305 = tpu.memref_slice %arg10[%dma_start3A_303, %dma_start3A_304] : memref<24x64xi32, #tpu.memory_space<vmem>> -> memref<1x64xi32, #tpu.memory_space<vmem>>
      %dma_start3A_306 = tpu.memref_squeeze %dma_start3A_305 : memref<1x64xi32, #tpu.memory_space<vmem>> -> memref<64xi32, #tpu.memory_space<vmem>>
      %dma_start3A_307 = arith.constant 0 : i32
      %dma_start3A_308 = arith.constant 0 : i32
      %dma_start3A_309 = tpu.memref_slice %arg8[%dma_start3A_307, %dma_start3A_308] : memref<10112x128xf32, #tpu.memory_space<vmem_shared>> -> memref<10112x128xf32, #tpu.memory_space<vmem_shared>>
      tpu.enqueue_indirect_dma source(%arg13 : memref<64x128xf32, #tpu.memory_space<vmem>>) target(%dma_start3A_309 : memref<10112x128xf32, #tpu.memory_space<vmem_shared>>) offsets(%dma_start3A_306 : memref<64xi32, #tpu.memory_space<vmem>>) semaphore(%arg21 : memref<!tpu.dma_semaphore, #tpu.memory_space<semaphore_mem>>) {add = true}
      %dma_wait3A_310 = arith.constant 19 : i32
      %dma_wait3A_311 = arith.constant 0 : i32
      %dma_wait3A_312 = tpu.memref_slice %arg10[%dma_wait3A_310, %dma_wait3A_311] : memref<24x64xi32, #tpu.memory_space<vmem>> -> memref<1x64xi32, #tpu.memory_space<vmem>>
      %dma_wait3A_313 = tpu.memref_squeeze %dma_wait3A_312 : memref<1x64xi32, #tpu.memory_space<vmem>> -> memref<64xi32, #tpu.memory_space<vmem>>
      %dma_wait3A_314 = arith.constant 0 : i32
      %dma_wait3A_315 = arith.constant 0 : i32
      %dma_wait3A_316 = tpu.memref_slice %arg3[%dma_wait3A_314, %dma_wait3A_315] : memref<4096x128xf32, #tpu.memory_space<hbm>> -> memref<4096x128xf32, #tpu.memory_space<hbm>>
      tpu.wait_indirect_dma semaphore(%arg18 : memref<!tpu.dma_semaphore, #tpu.memory_space<semaphore_mem>>) src(%dma_wait3A_316 : memref<4096x128xf32, #tpu.memory_space<hbm>>) dst(%arg14 : memref<64x128xf32, #tpu.memory_space<vmem>>)
      %dma_start3A_317 = arith.constant 23 : i32
      %dma_start3A_318 = arith.constant 0 : i32
      %dma_start3A_319 = tpu.memref_slice %arg10[%dma_start3A_317, %dma_start3A_318] : memref<24x64xi32, #tpu.memory_space<vmem>> -> memref<1x64xi32, #tpu.memory_space<vmem>>
      %dma_start3A_320 = tpu.memref_squeeze %dma_start3A_319 : memref<1x64xi32, #tpu.memory_space<vmem>> -> memref<64xi32, #tpu.memory_space<vmem>>
      %dma_start3A_321 = arith.constant 0 : i32
      %dma_start3A_322 = arith.constant 0 : i32
      %dma_start3A_323 = tpu.memref_slice %arg9[%dma_start3A_321, %dma_start3A_322] : memref<80x128xf32, #tpu.memory_space<vmem_shared>> -> memref<80x128xf32, #tpu.memory_space<vmem_shared>>
      tpu.enqueue_indirect_dma source(%arg14 : memref<64x128xf32, #tpu.memory_space<vmem>>) target(%dma_start3A_323 : memref<80x128xf32, #tpu.memory_space<vmem_shared>>) offsets(%dma_start3A_320 : memref<64xi32, #tpu.memory_space<vmem>>) semaphore(%arg22 : memref<!tpu.dma_semaphore, #tpu.memory_space<semaphore_mem>>) {add = true}
      %dma_wait3A_324 = arith.constant 22 : i32
      %dma_wait3A_325 = arith.constant 0 : i32
      %dma_wait3A_326 = tpu.memref_slice %arg10[%dma_wait3A_324, %dma_wait3A_325] : memref<24x64xi32, #tpu.memory_space<vmem>> -> memref<1x64xi32, #tpu.memory_space<vmem>>
      %dma_wait3A_327 = tpu.memref_squeeze %dma_wait3A_326 : memref<1x64xi32, #tpu.memory_space<vmem>> -> memref<64xi32, #tpu.memory_space<vmem>>
      %dma_wait3A_328 = arith.constant 0 : i32
      %dma_wait3A_329 = arith.constant 0 : i32
      %dma_wait3A_330 = tpu.memref_slice %arg9[%dma_wait3A_328, %dma_wait3A_329] : memref<80x128xf32, #tpu.memory_space<vmem_shared>> -> memref<80x128xf32, #tpu.memory_space<vmem_shared>>
      tpu.wait_indirect_dma semaphore(%arg19 : memref<!tpu.dma_semaphore, #tpu.memory_space<semaphore_mem>>) src(%arg11 : memref<64x128xf32, #tpu.memory_space<vmem>>) dst(%dma_wait3A_330 : memref<80x128xf32, #tpu.memory_space<vmem_shared>>)
      %dma_wait3A_331 = arith.constant 14 : i32
      %dma_wait3A_332 = arith.constant 0 : i32
      %dma_wait3A_333 = tpu.memref_slice %arg10[%dma_wait3A_331, %dma_wait3A_332] : memref<24x64xi32, #tpu.memory_space<vmem>> -> memref<1x64xi32, #tpu.memory_space<vmem>>
      %dma_wait3A_334 = tpu.memref_squeeze %dma_wait3A_333 : memref<1x64xi32, #tpu.memory_space<vmem>> -> memref<64xi32, #tpu.memory_space<vmem>>
      %dma_wait3A_335 = arith.constant 0 : i32
      %dma_wait3A_336 = arith.constant 0 : i32
      %dma_wait3A_337 = tpu.memref_slice %arg8[%dma_wait3A_335, %dma_wait3A_336] : memref<10112x128xf32, #tpu.memory_space<vmem_shared>> -> memref<10112x128xf32, #tpu.memory_space<vmem_shared>>
      tpu.wait_indirect_dma semaphore(%arg20 : memref<!tpu.dma_semaphore, #tpu.memory_space<semaphore_mem>>) src(%arg12 : memref<64x128xf32, #tpu.memory_space<vmem>>) dst(%dma_wait3A_337 : memref<10112x128xf32, #tpu.memory_space<vmem_shared>>)
      %dma_wait3A_338 = arith.constant 15 : i32
      %dma_wait3A_339 = arith.constant 0 : i32
      %dma_wait3A_340 = tpu.memref_slice %arg10[%dma_wait3A_338, %dma_wait3A_339] : memref<24x64xi32, #tpu.memory_space<vmem>> -> memref<1x64xi32, #tpu.memory_space<vmem>>
      %dma_wait3A_341 = tpu.memref_squeeze %dma_wait3A_340 : memref<1x64xi32, #tpu.memory_space<vmem>> -> memref<64xi32, #tpu.memory_space<vmem>>
      %dma_wait3A_342 = arith.constant 0 : i32
      %dma_wait3A_343 = arith.constant 0 : i32
      %dma_wait3A_344 = tpu.memref_slice %arg8[%dma_wait3A_342, %dma_wait3A_343] : memref<10112x128xf32, #tpu.memory_space<vmem_shared>> -> memref<10112x128xf32, #tpu.memory_space<vmem_shared>>
      tpu.wait_indirect_dma semaphore(%arg21 : memref<!tpu.dma_semaphore, #tpu.memory_space<semaphore_mem>>) src(%arg13 : memref<64x128xf32, #tpu.memory_space<vmem>>) dst(%dma_wait3A_344 : memref<10112x128xf32, #tpu.memory_space<vmem_shared>>)
      %dma_wait3A_345 = arith.constant 23 : i32
      %dma_wait3A_346 = arith.constant 0 : i32
      %dma_wait3A_347 = tpu.memref_slice %arg10[%dma_wait3A_345, %dma_wait3A_346] : memref<24x64xi32, #tpu.memory_space<vmem>> -> memref<1x64xi32, #tpu.memory_space<vmem>>
      %dma_wait3A_348 = tpu.memref_squeeze %dma_wait3A_347 : memref<1x64xi32, #tpu.memory_space<vmem>> -> memref<64xi32, #tpu.memory_space<vmem>>
      %dma_wait3A_349 = arith.constant 0 : i32
      %dma_wait3A_350 = arith.constant 0 : i32
      %dma_wait3A_351 = tpu.memref_slice %arg9[%dma_wait3A_349, %dma_wait3A_350] : memref<80x128xf32, #tpu.memory_space<vmem_shared>> -> memref<80x128xf32, #tpu.memory_space<vmem_shared>>
      tpu.wait_indirect_dma semaphore(%arg22 : memref<!tpu.dma_semaphore, #tpu.memory_space<semaphore_mem>>) src(%arg14 : memref<64x128xf32, #tpu.memory_space<vmem>>) dst(%dma_wait3A_351 : memref<80x128xf32, #tpu.memory_space<vmem_shared>>)
    }
    %scan3A_5 = arith.constant 20 : i32
    %barrier3A_6 = arith.constant 0 : index
    tpu.barrier barrier_id(%barrier3A_6)
    %mul3A_7 = arith.constant 10112 : i32
    %mul3A_8 = arith.muli %arg0, %mul3A_7 : i32
    %add3A = arith.addi %mul3A_8, %mul3A_0 : i32
    "tpu.region"() ({
      %run_scoped3A = tpu.sem_alloc : memref<!tpu.dma_semaphore, #tpu.memory_space<semaphore_mem>>
      %dma_start3A = arith.constant 0 : i32
      %dma_start3A_11 = tpu.memref_slice %arg6[%add3A, %dma_start3A] : memref<20224x128xf32, #tpu.memory_space<hbm>> -> memref<632x128xf32, #tpu.memory_space<hbm>>
      %dma_start3A_12 = arith.constant 0 : i32
      %dma_start3A_13 = tpu.memref_slice %arg8[%mul3A_0, %dma_start3A_12] : memref<10112x128xf32, #tpu.memory_space<vmem_shared>> -> memref<632x128xf32, #tpu.memory_space<vmem_shared>>
      tpu.enqueue_dma source(%dma_start3A_13 : memref<632x128xf32, #tpu.memory_space<vmem_shared>>) target(%dma_start3A_11 : memref<632x128xf32, #tpu.memory_space<hbm>>) target_semaphore(%run_scoped3A : memref<!tpu.dma_semaphore, #tpu.memory_space<semaphore_mem>>)
      %dma_wait3A = arith.constant 0 : i32
      %dma_wait3A_14 = tpu.memref_slice %arg6[%add3A, %dma_wait3A] : memref<20224x128xf32, #tpu.memory_space<hbm>> -> memref<632x128xf32, #tpu.memory_space<hbm>>
      %dma_wait3A_15 = arith.constant 0 : i32
      %dma_wait3A_16 = tpu.memref_slice %arg8[%mul3A_0, %dma_wait3A_15] : memref<10112x128xf32, #tpu.memory_space<vmem_shared>> -> memref<632x128xf32, #tpu.memory_space<vmem_shared>>
      tpu.wait_dma2 semaphore(%run_scoped3A : memref<!tpu.dma_semaphore, #tpu.memory_space<semaphore_mem>>) src(%dma_wait3A_16 : memref<632x128xf32, #tpu.memory_space<vmem_shared>>) dst(%dma_wait3A_14 : memref<632x128xf32, #tpu.memory_space<hbm>>)
      tpu.yield
    }) : () -> ()
    %mul3A_9 = arith.constant 80 : i32
    %mul3A_10 = arith.muli %arg0, %mul3A_9 : i32
    "tpu.region"() ({
      %run_scoped3A = tpu.sem_alloc : memref<!tpu.dma_semaphore, #tpu.memory_space<semaphore_mem>>
      %dma_start3A = arith.constant 0 : i32
      %dma_start3A_11 = tpu.memref_slice %arg7[%mul3A_10, %dma_start3A] : memref<160x128xf32, #tpu.memory_space<hbm>> -> memref<80x128xf32, #tpu.memory_space<hbm>>
      tpu.enqueue_dma source(%arg9 : memref<80x128xf32, #tpu.memory_space<vmem_shared>>) target(%dma_start3A_11 : memref<80x128xf32, #tpu.memory_space<hbm>>) target_semaphore(%run_scoped3A : memref<!tpu.dma_semaphore, #tpu.memory_space<semaphore_mem>>)
      %dma_wait3A = arith.constant 0 : i32
      %dma_wait3A_12 = tpu.memref_slice %arg7[%mul3A_10, %dma_wait3A] : memref<160x128xf32, #tpu.memory_space<hbm>> -> memref<80x128xf32, #tpu.memory_space<hbm>>
      tpu.wait_dma2 semaphore(%run_scoped3A : memref<!tpu.dma_semaphore, #tpu.memory_space<semaphore_mem>>) src(%arg9 : memref<80x128xf32, #tpu.memory_space<vmem_shared>>) dst(%dma_wait3A_12 : memref<80x128xf32, #tpu.memory_space<hbm>>)
      tpu.yield
    }) : () -> ()
    return
  }
}

module attributes {stable_mosaic.version = 14 : i64} {
  func.func @_tc1_body(%arg0: i32, %arg1: memref<632x256xf32, #tpu.memory_space<vmem>>, %arg2: memref<256x256xf32, #tpu.memory_space<vmem>>, %arg3: memref<8x256xf32, #tpu.memory_space<vmem>>, %arg4: memref<632x256xf32, #tpu.memory_space<vmem>>) attributes {dimension_semantics = [#tpu.dimension_semantics<arbitrary>], iteration_bounds = array<i64: 16>, scalar_prefetch = 0 : i64, scratch_operands = 0 : i64, tpu.core_type = #tpu.core_type<tc>, window_params = [{transform_indices = @transform_0, window_bounds = array<i64: 632, 256>}, {pipeline_mode = #tpu.pipeline_mode<synchronous>, transform_indices = @transform_1, window_bounds = array<i64: 256, 256>}, {pipeline_mode = #tpu.pipeline_mode<synchronous>, transform_indices = @transform_2, window_bounds = array<i64: 8, 256>}, {transform_indices = @transform_3, window_bounds = array<i64: 632, 256>}]} {
    %get3A = arith.constant 0 : index
    %get3A_0 = arith.constant 0 : index
    %get3A_1 = vector.load %arg1[%get3A, %get3A_0] : memref<632x256xf32, #tpu.memory_space<vmem>>, vector<632x256xf32>
    %get3A_2 = arith.constant 0 : index
    %get3A_3 = arith.constant 0 : index
    %get3A_4 = vector.load %arg2[%get3A_2, %get3A_3] : memref<256x256xf32, #tpu.memory_space<vmem>>, vector<256x256xf32>
    %dot_general3A = arith.constant dense<0.000000e+00> : vector<632x256xf32>
    %dot_general3A_5 = tpu.matmul %get3A_1, %get3A_4, %dot_general3A {dimension_numbers = #tpu.dot_dimension_numbers<[1], [0], [0], [1], [0, 0, 1, 1], [], []>, transpose_lhs_hint = false} : vector<632x256xf32>, vector<256x256xf32>, vector<632x256xf32> -> vector<632x256xf32>
    %get3A_6 = arith.constant 0 : index
    %get3A_7 = arith.constant 0 : index
    %get3A_8 = vector.load %arg3[%get3A_6, %get3A_7] : memref<8x256xf32, #tpu.memory_space<vmem>>, vector<1x256xf32>
    %add3A = vector.broadcast %get3A_8 : vector<1x256xf32> to vector<632x256xf32>
    %add3A_9 = arith.addf %dot_general3A_5, %add3A : vector<632x256xf32>
    %swap3A = arith.constant 0 : index
    %swap3A_10 = arith.constant 0 : index
    %swap3A_11 = vector.load %arg4[%swap3A, %swap3A_10] : memref<632x256xf32, #tpu.memory_space<vmem>>, vector<632x256xf32>
    tpu.vector_store %arg4[%swap3A, %swap3A_10], %add3A_9 {strides = array<i32>} : memref<632x256xf32, #tpu.memory_space<vmem>>, vector<632x256xf32>,
    return
  }
  func.func @transform_0(%arg0: i32) -> (i32, i32) {
    %c0_i32 = arith.constant 0 : i32
    %c0_i32_0 = arith.constant 0 : i32
    return %arg0, %c0_i32 : i32, i32
  }
  func.func @transform_1(%arg0: i32) -> (i32, i32) {
    %c0_i32 = arith.constant 0 : i32
    %c0_i32_0 = arith.constant 0 : i32
    %c0_i32_1 = arith.constant 0 : i32
    return %c0_i32, %c0_i32_0 : i32, i32
  }
  func.func @transform_2(%arg0: i32) -> (i32, i32) {
    %c0_i32 = arith.constant 0 : i32
    %c0_i32_0 = arith.constant 0 : i32
    %c0_i32_1 = arith.constant 0 : i32
    return %c0_i32, %c0_i32_0 : i32, i32
  }
  func.func @transform_3(%arg0: i32) -> (i32, i32) {
    %c0_i32 = arith.constant 0 : i32
    %c0_i32_0 = arith.constant 0 : i32
    return %arg0, %c0_i32 : i32, i32
  }
}

module attributes {stable_mosaic.version = 14 : i64} {
  func.func @_tc2_body(%arg0: i32, %arg1: memref<632x256xf32, #tpu.memory_space<vmem>>, %arg2: memref<632x128xf32, #tpu.memory_space<vmem>>, %arg3: memref<632x128xf32, #tpu.memory_space<vmem>>, %arg4: memref<632x16xf32, #tpu.memory_space<vmem>>, %arg5: memref<632x16xf32, #tpu.memory_space<vmem>>, %arg6: memref<128x256xf32, #tpu.memory_space<vmem>>, %arg7: memref<128x256xf32, #tpu.memory_space<vmem>>, %arg8: memref<632x256xf32, #tpu.memory_space<vmem>>) attributes {dimension_semantics = [#tpu.dimension_semantics<arbitrary>], iteration_bounds = array<i64: 16>, scalar_prefetch = 0 : i64, scratch_operands = 0 : i64, tpu.core_type = #tpu.core_type<tc>, window_params = [{transform_indices = @transform_0, window_bounds = array<i64: 632, 256>}, {transform_indices = @transform_1, window_bounds = array<i64: 632, 128>}, {transform_indices = @transform_2, window_bounds = array<i64: 632, 128>}, {transform_indices = @transform_3, window_bounds = array<i64: 632, 16>}, {transform_indices = @transform_4, window_bounds = array<i64: 632, 16>}, {pipeline_mode = #tpu.pipeline_mode<synchronous>, transform_indices = @transform_5, window_bounds = array<i64: 128, 256>}, {pipeline_mode = #tpu.pipeline_mode<synchronous>, transform_indices = @transform_6, window_bounds = array<i64: 128, 256>}, {transform_indices = @transform_7, window_bounds = array<i64: 632, 256>}]} {
    %get3A = arith.constant 0 : index
    %get3A_0 = arith.constant 0 : index
    %get3A_1 = vector.load %arg4[%get3A, %get3A_0] : memref<632x16xf32, #tpu.memory_space<vmem>>, vector<632x1xf32>
    %get3A_2 = arith.constant 0 : index
    %get3A_3 = arith.constant 0 : index
    %get3A_4 = vector.load %arg5[%get3A_2, %get3A_3] : memref<632x16xf32, #tpu.memory_space<vmem>>, vector<632x1xf32>
    %add3A = arith.addf %get3A_1, %get3A_4 : vector<632x1xf32>
    %max3A = arith.constant 1.000000e+00 : f32
    %max3A_5 = vector.broadcast %max3A : f32 to vector<632x1xf32>
    %max3A_6 = arith.maximumf %add3A, %max3A_5 : vector<632x1xf32>
    %div3A = arith.constant 1.000000e+00 : f32
    %div3A_7 = vector.broadcast %div3A : f32 to vector<632x1xf32>
    %div3A_8 = arith.divf %div3A_7, %max3A_6 : vector<632x1xf32>
    %get3A_9 = arith.constant 0 : index
    %get3A_10 = arith.constant 0 : index
    %get3A_11 = vector.load %arg2[%get3A_9, %get3A_10] : memref<632x128xf32, #tpu.memory_space<vmem>>, vector<632x128xf32>
    %mul3A = vector.broadcast %div3A_8 : vector<632x1xf32> to vector<632x128xf32>
    %mul3A_12 = arith.mulf %get3A_11, %mul3A : vector<632x128xf32>
    %get3A_13 = arith.constant 0 : index
    %get3A_14 = arith.constant 0 : index
    %get3A_15 = vector.load %arg3[%get3A_13, %get3A_14] : memref<632x128xf32, #tpu.memory_space<vmem>>, vector<632x128xf32>
    %mul3A_16 = vector.broadcast %div3A_8 : vector<632x1xf32> to vector<632x128xf32>
    %mul3A_17 = arith.mulf %get3A_15, %mul3A_16 : vector<632x128xf32>
    %get3A_18 = arith.constant 0 : index
    %get3A_19 = arith.constant 0 : index
    %get3A_20 = vector.load %arg1[%get3A_18, %get3A_19] : memref<632x256xf32, #tpu.memory_space<vmem>>, vector<632x256xf32>
    %get3A_21 = arith.constant 0 : index
    %get3A_22 = arith.constant 0 : index
    %get3A_23 = vector.load %arg6[%get3A_21, %get3A_22] : memref<128x256xf32, #tpu.memory_space<vmem>>, vector<128x256xf32>
    %dot_general3A = arith.constant dense<0.000000e+00> : vector<632x256xf32>
    %dot_general3A_24 = tpu.matmul %mul3A_12, %get3A_23, %dot_general3A {dimension_numbers = #tpu.dot_dimension_numbers<[1], [0], [0], [1], [0, 0, 1, 1], [], []>, transpose_lhs_hint = false} : vector<632x128xf32>, vector<128x256xf32>, vector<632x256xf32> -> vector<632x256xf32>
    %add3A_25 = arith.addf %get3A_20, %dot_general3A_24 : vector<632x256xf32>
    %get3A_26 = arith.constant 0 : index
    %get3A_27 = arith.constant 0 : index
    %get3A_28 = vector.load %arg7[%get3A_26, %get3A_27] : memref<128x256xf32, #tpu.memory_space<vmem>>, vector<128x256xf32>
    %dot_general3A_29 = arith.constant dense<0.000000e+00> : vector<632x256xf32>
    %dot_general3A_30 = tpu.matmul %mul3A_17, %get3A_28, %dot_general3A_29 {dimension_numbers = #tpu.dot_dimension_numbers<[1], [0], [0], [1], [0, 0, 1, 1], [], []>, transpose_lhs_hint = false} : vector<632x128xf32>, vector<128x256xf32>, vector<632x256xf32> -> vector<632x256xf32>
    %add3A_31 = arith.addf %add3A_25, %dot_general3A_30 : vector<632x256xf32>
    %swap3A = arith.constant 0 : index
    %swap3A_32 = arith.constant 0 : index
    %swap3A_33 = vector.load %arg8[%swap3A, %swap3A_32] : memref<632x256xf32, #tpu.memory_space<vmem>>, vector<632x256xf32>
    tpu.vector_store %arg8[%swap3A, %swap3A_32], %add3A_31 {strides = array<i32>} : memref<632x256xf32, #tpu.memory_space<vmem>>, vector<632x256xf32>,
    return
  }
  func.func @transform_0(%arg0: i32) -> (i32, i32) {
    %c0_i32 = arith.constant 0 : i32
    %c0_i32_0 = arith.constant 0 : i32
    return %arg0, %c0_i32 : i32, i32
  }
  func.func @transform_1(%arg0: i32) -> (i32, i32) {
    %c0_i32 = arith.constant 0 : i32
    %c0_i32_0 = arith.constant 0 : i32
    return %arg0, %c0_i32 : i32, i32
  }
  func.func @transform_2(%arg0: i32) -> (i32, i32) {
    %add3A = arith.constant 16 : i32
    %add3A_0 = arith.addi %arg0, %add3A : i32
    %c0_i32 = arith.constant 0 : i32
    %c0_i32_1 = arith.constant 0 : i32
    return %add3A_0, %c0_i32 : i32, i32
  }
  func.func @transform_3(%arg0: i32) -> (i32, i32) {
    %c0_i32 = arith.constant 0 : i32
    %c0_i32_0 = arith.constant 0 : i32
    return %arg0, %c0_i32 : i32, i32
  }
  func.func @transform_4(%arg0: i32) -> (i32, i32) {
    %c0_i32 = arith.constant 0 : i32
    %c0_i32_0 = arith.constant 0 : i32
    return %arg0, %c0_i32 : i32, i32
  }
  func.func @transform_5(%arg0: i32) -> (i32, i32) {
    %c0_i32 = arith.constant 0 : i32
    %c0_i32_0 = arith.constant 0 : i32
    %c0_i32_1 = arith.constant 0 : i32
    return %c0_i32, %c0_i32_0 : i32, i32
  }
  func.func @transform_6(%arg0: i32) -> (i32, i32) {
    %c0_i32 = arith.constant 0 : i32
    %c0_i32_0 = arith.constant 0 : i32
    %c0_i32_1 = arith.constant 0 : i32
    return %c0_i32, %c0_i32_0 : i32, i32
  }
  func.func @transform_7(%arg0: i32) -> (i32, i32) {
    %c0_i32 = arith.constant 0 : i32
    %c0_i32_0 = arith.constant 0 : i32
    return %arg0, %c0_i32 : i32, i32
  }
}

</mosaic_0001>

<sc_bundles>
// kernel: kernel.5.cloned.1.call-start
scs
__scs_entry_jumppad:
0x0: {  	(pc) =	sbr.rel $0x88, $3  }
0x1: {  	(tag) =	ssettag $0x0;
	lr =	simm.s32 $0x1  }
0x2: {  	[smem:$0x3F95] =	sst lr;
	_ =	strace $0xD0000000  }
0x3: {  	_ = 	snop  }
0x4: {  	_ = 	snop  }
0x5: {  	_ = 	snop  }
0x6: {  	_ = 	snop  }
0x7: {  	_ = 	snop  }
__scs_overlays_trampoline_lowered:
0x8: {  	[smem:$0x3FA4] =	sst s0  }
0x9: {  	[smem:$0x3FA5] =	sst s1  }
0xa: {  	[smem:$0x3FA6] =	sst s2  }
0xb: {  	[smem:$0x3FA7] =	sst s3  }
0xc: {  	[smem:$0x3FA8] =	sst s4  }
0xd: {  	[smem:$0x3FA9] =	sst s5  }
0xe: {  	[smem:$0x3FAA] =	sst s6  }
0xf: {  	[smem:$0x3FAB] =	sst s7  }
0x10: {  	[smem:$0x3FAC] =	sst s8  }
0x11: {  	[smem:$0x3FAD] =	sst s9;
	s0 =	simm.s32 @!p0 $0x0  }
0x12: {  	s1 =	sld [smem:$0x3F93];
	s0 =	simm.s32 @p0 $0x1  }
0x13: {  	[smem:$0x3FAE] =	sst s0;
	s0 =	simm.s32 @!p1 $0x0  }
0x14: {  	s2 =	sld [smem:$0x3F92];
	s0 =	simm.s32 @p1 $0x1  }
0x15: {  	[smem:$0x3FAF] =	sst s0;
	s0 =	simm.s32 @!p2 $0x0  }
0x16: {  	s3 =	sld [smem:$0x3FDB];
	s0 =	simm.s32 @p2 $0x1  }
0x17: {  	s4 =	simm.s32 $0x1BF5;
	[smem:$0x3FB1] =	sst s0  }
0x18: {  	s0 =	sld [smem:$0x3F94];
	_ =	swait.ge [sflag:s4], $0x0  }
0x19: {  	s7 =	sld [smem:$0x3F95]  }
0x1a: {  	s8 =	sadd.s32 $0xFFFFE003, lr  }
0x1b: {  	s9 =	sadd.s32 $0xFFFFFEF7, lr;
	s5 =	simm.s32 $0xFFFFFFFF;
	p2 =	slt.u32 s8, $0xFFFFF086  }
0x1c: {  	p1 =	slt.u32 s9, $0xF7A;
	s5 =	simm.s32 @!p2 $0x0  }
0x1d: {  	s5 =	simm.s32 @p1 $0x1;
	p0 =	seq.s32 s7, s2  }
0x1e: {  	s7 =	smul.u32 @!p0 $0xF7A, s2;
	p2 =	seq.s32 @!p0 s5, $0x0  }
0x1f: {  	s9 =	smul.u32 $0xF7A, s1;
	s8 =	simm.s32 @!p0 $0x1BF5;
	p2 =	por !p2, p0  }
0x20: {  	[sflag:s8] =	ssyncset.s32 @!p0 $0xFFFFF086;
	s6 =	sadd.s32 @!p0 s3, s7;
	s7 =	simm.s32 @!p0 $0x108  }
0x21: {  	s3 =	sadd.s32 s3, s9;
	s6 =	sadd.s32 @!p0 $0x88, s6;
	s7 =	simm.s32 @p2 $0x1082  }
0x22: {  	[simem:s7], [sflag:s8] =	dma.local @!p0 [hbm:s6], $0xF7A  }
0x23: {  	s9 =	sor.u32 $0xD0000000, s2;
	s6 =	simm.s32 $0x108;
	_ =	swait.ge @!p0 [sflag:s8], $0x0  }
0x24: {  	s3 =	sadd.s32 $0x88, s3;
	s6 =	simm.s32 @!p1 $0x1082;
	[sflag:s4] =	ssyncset.s32 $0xFFFFF086  }
0x25: {  	[simem:s6], [sflag:s4] =	dma.local [hbm:s3], $0xF7A  }
0x26: {  	[smem:$0x3F95] =	sst s1;
	(tag) =	ssettag s2;
	_ =	strace s9  }
0x27: {  	s1 =	sld [smem:$0x3FA5]  }
0x28: {  	s2 =	sld [smem:$0x3FA6]  }
0x29: {  	s4 =	sld [smem:$0x3FA8]  }
0x2a: {  	p0 =	seq.s32 s5, $0x0;
	s5 =	sld [smem:$0x3FA9]  }
0x2b: {  	s6 =	sld [smem:$0x3FAA]  }
0x2c: {  	s7 =	sld [smem:$0x3FAB]  }
0x2d: {  	s3 =	simm.s32 $0x108;
	s8 =	sld [smem:$0x3FAC]  }
0x2e: {  	s3 =	simm.s32 @!p0 $0x1082;
	s9 =	sld [smem:$0x3FAD]  }
0x2f: {  	lr =	sadd.s32 s0, s3;
	s0 =	sld [smem:$0x3FA4]  }
0x30: {  	s3 =	sld [smem:$0x3FA7]  }
0x31: {  	[smem:$0x3FB0] =	sst s10  }
0x32: {  	s10 =	sld [smem:$0x3FAE];
	_ =	sdelay $0x3  }
0x33: {  	p0 =	seq.s32 s10, $0x1;
	s10 =	sld [smem:$0x3FB0];
	_ =	sdelay $0x3  }
0x34: {  	[smem:$0x3FB0] =	sst s10  }
0x35: {  	s10 =	sld [smem:$0x3FAF];
	_ =	sdelay $0x3  }
0x36: {  	p1 =	seq.s32 s10, $0x1;
	s10 =	sld [smem:$0x3FB0];
	_ =	sdelay $0x3  }
0x37: {  	[smem:$0x3FB0] =	sst s10  }
0x38: {  	s10 =	sld [smem:$0x3FB1]  }
0x39: {  	_ = 	snop;
	(pc) =	sbr.ind lr, $3  }
0x3a: {  	_ = 	snop  }
0x3b: {  	_ = 	snop  }
0x3c: {  	p2 =	seq.s32 s10, $0x1;
	s10 =	sld [smem:$0x3FB0]  }
0x3d: {  	_ =	shalt  }
0x3e: {  	_ =	shalt  }
0x3f: {  	_ =	shalt  }
0x40: {  	_ =	shalt  }
0x41: {  	_ =	shalt  }
0x42: {  	_ =	shalt  }
0x43: {  	_ =	shalt  }
0x44: {  	_ =	shalt  }
0x45: {  	_ =	shalt  }
0x46: {  	_ =	shalt  }
0x47: {  	_ =	shalt  }
0x48: {  	_ =	shalt  }
0x49: {  	_ =	shalt  }
0x4a: {  	_ =	shalt  }
0x4b: {  	_ =	shalt  }
0x4c: {  	_ =	shalt  }
0x4d: {  	_ =	shalt  }
0x4e: {  	_ =	shalt  }
0x4f: {  	_ =	shalt  }
0x50: {  	_ =	shalt  }
0x51: {  	_ =	shalt  }
0x52: {  	_ =	shalt  }
0x53: {  	_ =	shalt  }
0x54: {  	_ =	shalt  }
0x55: {  	_ =	shalt  }
0x56: {  	_ =	shalt  }
0x57: {  	_ =	shalt  }
0x58: {  	_ =	shalt  }
0x59: {  	_ =	shalt  }
0x5a: {  	_ =	shalt  }
0x5b: {  	_ =	shalt  }
0x5c: {  	_ =	shalt  }
0x5d: {  	_ =	shalt  }
0x5e: {  	_ =	shalt  }
0x5f: {  	_ =	shalt  }
0x60: {  	_ =	shalt  }
0x61: {  	_ =	shalt  }
0x62: {  	_ =	shalt  }
0x63: {  	_ =	shalt  }
0x64: {  	_ =	shalt  }
0x65: {  	_ =	shalt  }
0x66: {  	_ =	shalt  }
0x67: {  	_ =	shalt  }
0x68: {  	_ =	shalt  }
0x69: {  	_ =	shalt  }
0x6a: {  	_ =	shalt  }
0x6b: {  	_ =	shalt  }
0x6c: {  	_ =	shalt  }
0x6d: {  	_ =	shalt  }
0x6e: {  	_ =	shalt  }
0x6f: {  	_ =	shalt  }
0x70: {  	_ =	shalt  }
0x71: {  	_ =	shalt  }
0x72: {  	_ =	shalt  }
0x73: {  	_ =	shalt  }
0x74: {  	_ =	shalt  }
0x75: {  	_ =	shalt  }
0x76: {  	_ =	shalt  }
0x77: {  	_ =	shalt  }
0x78: {  	_ =	shalt  }
0x79: {  	_ =	shalt  }
0x7a: {  	_ =	shalt  }
0x7b: {  	_ =	shalt  }
0x7c: {  	_ =	shalt  }
0x7d: {  	_ =	shalt  }
0x7e: {  	_ =	shalt  }
0x7f: {  	_ =	shalt  }
0x80: {  	_ =	shalt  }
0x81: {  	_ =	shalt  }
0x82: {  	_ =	shalt  }
0x83: {  	_ =	shalt  }
0x84: {  	_ =	shalt  }
0x85: {  	_ =	shalt  }
0x86: {  	_ =	shalt  }
0x87: {  	_ =	shalt  }
.Lfunc_end0:
.L_simem_size_0:
called_computation_lowered:
.L_overlay_start_0:
0x88: {  	s2 =	sld [smem:$0x3FD9]  }
0x89: {  	s3 =	sld [smem:$0x3FFE];
	_ =	sdelay $0x1  }
0x8a: {  	s1 =	srdreg.scid  }
0x8b: {  	s0 =	sand.u32 $0x1, s1  }
0x8c: {  	s17 =	sshll.u32 s0, $0xA;
	s2 =	sadd.s32 s3, s2  }
0x8d: {  	s2 =	sadd.s32 s2, s17  }
0x8e: {  	[smem:$0x3FBC] =	sst s2  }
0x8f: {  	_ = 	snop  }
0x90: {  	s2 =	sld [smem:$0x3FD0];
	(tm) =	ssettm $0x1  }
0x91: {  	s18 =	sld [smem:$0x3FFB];
	_ =	sdelay $0x3  }
0x92: {  	_ =	strace s18  }
0x93: {  	s3 =	sld [smem:$0x3FFC];
	_ =	sdelay $0x3  }
0x94: {  	_ =	strace s3  }
0x95: {  	s3 =	sld [smem:$0x3FFD];
	_ =	sdelay $0x3  }
0x96: {  	_ =	strace s3  }
0x97: {  	_ =	strace $0x8FFFFFFF  }
0x98: {  	s19 =	sld [smem:$0x3FDB];
	_ =	sdelay $0x1  }
0x99: {  	s4 =	simm.s32 $_scs_section_size  }
0x9a: {  	s5 =	simm.s32 $_size__tile_overlayer_lowered;
	s6 =	simm.s32 $_tile_overlayer_lowered  }
0x9b: {  	s22 =	simm.s32 $0x1BFF;
	s21 =	sshll.u32 s6, $0x1;
	s3 =	sadd.s32 s4, s19  }
0x9c: {  	s7 =	simm.s32 $0x0;
	s20 =	sshll.u32 s5, $0x1;
	s5 =	sadd.s32 s21, s3  }
0x9d: {  	[timem:s7], [sflag:s22] =	dma.local [hbm:s5], s20  }
0x9e: {  	_ =	swait.ge [sflag:s22], s20  }
0x9f: {  	s4 =	ssub.s32 $0x0, s20;
	[sflag:s22] =	ssyncset.done $0x0  }
0xa0: {  	[sflag:s22] =	ssyncadd.s32 s4;
	_ =	sdelay $0x1  }
0xa1: {  	s23 =	simm.s32 $0x1B8B  }
0xa2: {  	_ =	swait.ge [sflag:s23], $0x1  }
0xa3: {  	[sflag:s23] =	ssyncset.done $0x0  }
0xa4: {  	s25 =	simm.s32 $0x1B8E;
	s24 =	sld [smem:$0x3FFE];
	[sflag:s23] =	ssyncadd.s32 $0xFFFFFFFF  }
0xa5: {  	s26 =	simm.s32 $execute0_lowered;
	[smem:$0x3FD2] =	sst s25  }
0xa6: {  	s5 =	sshll.u32 s26, $0x1;
	_ =	strace $0x80000046;
	[dreg:$0x1] =	wrdreg $0xFFFFFFFF  }
0xa7: {  	s28 =	simm.s32 $_size_execute0_lowered;
	s3 =	sadd.s32 s3, s5;
	[dreg:$0x0] =	wrdreg $0x0  }
0xa8: {  	s5 =	sshll.u32 s28, $0x1;
	[dreg:$0x2] =	wrdreg s3  }
0xa9: {  	[dreg:$0x3] =	wrdreg s5  }
0xaa: {  	[dreg:$0x4] =	wrdreg $0xC0  }
0xab: {  	_ =	task [dreg:s7], $0x5FFFF  }
0xac: {  	[dreg:$0x1] =	wrdreg $0xFFFFFFFF  }
0xad: {  	[dreg:$0x0] =	wrdreg $0x60  }
0xae: {  	[dreg:$0x2] =	wrdreg s2  }
0xaf: {  	[dreg:$0x3] =	wrdreg s24  }
0xb0: {  	[dreg:$0x4] =	wrdreg $0x0  }
0xb1: {  	[dreg:$0x5] =	wrdreg $0x13C000  }
0xb2: {  	[dreg:$0x6] =	wrdreg $0x9  }
0xb3: {  	_ =	task.clear_ibuf [dreg:s7], $0x7FFFF;
	_ =	strace $0x90000046  }
0xb4: {  	s29 =	simm.s32 $0x9;
	_ =	strace $0x80000048  }
0xb5: {  	_ =	swait.ge [sflag:s29], $0x1  }
0xb6: {  	[sflag:s29] =	ssyncadd.s32 $0xFFFFFFFF  }
0xb7: {  	_ =	strace $0x90000048  }
0xb8: {  	_ =	sfence  }
0xb9: {  	s30 =	sld [smem:$0x0];
	_ =	sdelay $0x2  }
0xba: {  	s31 =	sshll.u32 s1, $0xD;
	s1 =	sshrl.u32 s1, $0x2  }
0xbb: {  	s3 =	sand.u32 $0x4000, s31;
	s1 =	sadd.s32 s1, s30  }
0xbc: {  	s0 =	sor.u32 s3, s0;
	s1 =	sshll.u32 s1, $0x11  }
0xbd: {  	s0 =	sor.u32 s1, s0  }
0xbe: {  	s0 =	sadd.s32 $0x8F2B, s0  }
0xbf: {  	[sflag:s0] =	ssyncadd.remote.s32 $0x1  }
0xc0: {  	_ =	sfence.sel $0xFFFF  }
0xc1: {  	[dreg:$0x0] =	wrdreg $0xFFFFFFFF;
	(pc) =	sbr.abs _section_cstart, $3  }
0xc2: {  	[dreg:$0x1] =	wrdreg $0xFFFFFFFF  }
0xc3: {  	_ =	task.clear_ibuf [dreg:s7], $0x2FFFF;
	_ =	strace $0x9FFFFFFF  }
0xc4: {  	(tm) =	ssettm $0x7FFFFFFF  }
0xc5: {  	_ =	shalt  }
tec
execute0_lowered:
.L_overlay_start_1:
0x0: {  	(tag) =	ssettag $0x1  }
0x1: {  	s1 =	rddreg [dreg:$0x0]  }
0x2: {  	s0 =	rddreg [dreg:$0x1]  }
0x3: {  	s2 =	rddreg [dreg:$0x2]  }
0x4: {  	s3 =	rddreg [dreg:$0x3];
	s4 =	srdreg.scid;
	s6 =	simm.s32 $0x0  }
0x5: {  	s5 =	stileid.u32;
	s13 =	simm.s32 $0x14680;
	s14 =	simm.s32 $0x13F80  }
0x6: {  	s15 =	simm.s32 $0x14280;
	s16 =	simm.s32 $0x14000;
	s17 =	simm.s32 $0x14300  }
0x7: {  	s18 =	simm.s32 $0x14700;
	s19 =	simm.s32 $0x14880;
	s20 =	simm.s32 $0x14080  }
0x8: {  	s21 =	simm.s32 $0x14380;
	s22 =	simm.s32 $0x14100;
	s23 =	simm.s32 $0x14400  }
0x9: {  	s28 =	simm.s32 $0x7;
	[smem:$0x7FF] =	sst s6;
	s11 =	sadd.s32 $0x4E400, s0  }
0xa: {  	s29 =	simm.s32 $0x8;
	_ =	strace $0x80000047;
	[dreg:$0x15] =	wrdreg s11  }
0xb: {  	s30 =	simm.s32 $0x14480;
	s8 =	smul.u32 $0x2780, s5;
	[dreg:$0x7] =	wrdreg s13  }
0xc: {  	s31 =	simm.s32 $0x14200;
	s24 =	smul.u32 $0x4F000, s5;
	[dreg:$0x8] =	wrdreg s14  }
0xd: {  	s4 =	sand.u32 $0x1, s4;
	s12 =	smul.u32 $0x1E00, s5;
	[dreg:$0x9] =	wrdreg s15  }
0xe: {  	s6 =	sadd.s32 $0x3E400, s0;
	s7 =	smul.u32 $0x1E000, s4;
	[dreg:$0xa] =	wrdreg s16  }
0xf: {  	s5 =	sshll.u32 s5, $0x6;
	s9 =	smul.u32 $0x27800, s4;
	[dreg:$0xb] =	wrdreg s17  }
0x10: {  	s10 =	smul.u32 $0x500, s4;
	s4 =	ssub.s32 $0x2, s4;
	[dreg:$0xc] =	wrdreg s18  }
0x11: {  	s11 =	simm.s32 $0x13F00;
	s13 =	simm.s32 $0x9;
	[dreg:$0xd] =	wrdreg s19  }
0x12: {  	s14 =	sshrl.u32 s3, $0x3;
	s15 =	simm.s32 $0x13E80;
	[dreg:$0xe] =	wrdreg s20  }
0x13: {  	s16 =	simm.s32 $0x40;
	s17 =	simm.s32 $0x14A80;
	[dreg:$0xf] =	wrdreg s21  }
0x14: {  	s18 =	simm.s32 $0x16A80;
	s19 =	simm.s32 $0x18A80;
	[dreg:$0x10] =	wrdreg s22  }
0x15: {  	s20 =	simm.s32 $0x1;
	s21 =	simm.s32 $0x1AA80;
	[dreg:$0x11] =	wrdreg s23  }
0x16: {  	s22 =	simm.s32 $0x2;
	s23 =	simm.s32 $0x5;
	s25 =	sshrl.u32 s4, $0x1  }
0x17: {  	s26 =	sshrl.u32 s24, $0x2;
	[dreg:$0x6] =	wrdreg s11;
	s24 =	simm.s32 $0x14780  }
0x18: {  	s11 =	simm.s32 $0x14600;
	[dreg:$0x1b] =	wrdreg s14;
	s7 =	sadd.s32 s7, s0  }
0x19: {  	s8 =	sadd.s32 s8, s9;
	s4 =	ssub.s32 s4, s25;
	s9 =	sadd.s32 s26, s2  }
0x1a: {  	[dreg:$0x12] =	wrdreg s24;
	s25 =	simm.s32 $0x14900;
	s26 =	simm.s32 $0x14180  }
0x1b: {  	s24 =	simm.s32 $0x3;
	s8 =	sadd.s32 s8, s0;
	[dreg:$0x13] =	wrdreg s25  }
0x1c: {  	s7 =	sadd.s32 s12, s7;
	s4 =	smax.u32 s4, $0x1;
	[dreg:$0x14] =	wrdreg s26  }
0x1d: {  	s12 =	sor.u32 $0x1C09, s5;
	s5 =	simm.s32 $0x0;
	[dreg:$0x19] =	wrdreg s4  }
0x1e: {  	s0 =	sadd.s32 s10, s0;
	s25 =	simm.s32 $0x6;
	[dreg:$0x1c] =	wrdreg s5  }
0x1f: {  	s26 =	simm.s32 $0x4;
	s10 =	sadd.s32 $0x51600, s8;
	[dreg:$0x16] =	wrdreg s12  }
0x20: {  	s7 =	sadd.s32 $0x2400, s7;
	s0 =	sadd.s32 $0x50C00, s0;
	[dreg:$0x17] =	wrdreg s10  }
0x21: {  	s8 =	sshrl.u32 s9, $0x3;
	s4 =	simm.s32 $0x14800;
	[dreg:$0x5] =	wrdreg s7  }
0x22: {  	s9 =	simm.s32 $0x14980;
	[dreg:$0x18] =	wrdreg s0;
	s0 =	simm.s32 $0x14500  }
0x23: {  	s10 =	simm.s32 $0x14580;
	s7 =	simm.s32 $0x14A00;
	[dreg:$0x1a] =	wrdreg s8  }
.LBB2_1:
0x24: {  	s5 =	rddreg [dreg:$0x15]  }
0x25: {  	[spmem:s8], [sflag:s12] =	dma.local [hbm:s5], $0x2780  }
0x26: {  	_ =	swait.ge [sflag:s13], $0x2780  }
0x27: {  	[sflag:s13] =	ssyncset.done $0x0  }
0x28: {  	[sflag:s13] =	ssyncadd.s32 $0xFFFFD880  }
0x29: {  	[spmem:s14], [sflag:s12] =	dma.local [hbm:s5], $0x500  }
0x2a: {  	_ =	swait.ge [sflag:s13], $0x500  }
0x2b: {  	[sflag:s13] =	ssyncset.done $0x0  }
0x2c: {  	[sflag:s13] =	ssyncadd.s32 $0xFFFFFB00  }
0x2d: {  	[bflag:$0x0] =	sbarrier.arrive $0xFFFF  }
0x2e: {  	s5 =	rddreg [dreg:$0x5]  }
0x2f: {  	s12 =	simm.s32 $0x0;
	s8 =	sadd.s32 $0x0, s5  }
0x30: {  	[tilespmem:s15], [sflag:$0x9] =	stream.linear.gather [hbm4b:s8+s12], $0xC00, $0x38;
	[tilespmem:$0x1CA80] =	vst v63  }
0x31: {  	_ =	swait.ge [sflag:s13], $0xC00  }
0x32: {  	[sflag:s13] =	ssyncset.done $0x0  }
0x33: {  	[sflag:s13] =	ssyncadd.s32 $0xFFFFF400  }
0x34: {  	[tilespmem:s17], [sflag:$0x1] =	stream.indirect.gather [hbm4b:s1+s16], $0x80, s15, s16, $0xb8;
	[tilespmem:$0x1CA80] =	vst v63  }
0x35: {  	s14 =	rddreg [dreg:$0x6]  }
0x36: {  	[tilespmem:s18], [sflag:$0x2] =	stream.indirect.gather [hbm4b:s1+s16], $0x80, s14, s16, $0xb8;
	[tilespmem:$0x1CA80] =	vst v63  }
0x37: {  	s5 =	rddreg [dreg:$0x7]  }
0x38: {  	[tilespmem:s19], [sflag:$0x3] =	stream.indirect.gather [hbm4b:s6+s16], $0x80, s5, s16, $0xb8;
	[tilespmem:$0x1CA80] =	vst v63  }
0x39: {  	_ =	swait.ge [sflag:s20], $0x2000  }
0x3a: {  	[sflag:s20] =	ssyncset.done $0x0  }
0x3b: {  	s14 =	rddreg [dreg:$0x8];
	[sflag:s20] =	ssyncadd.s32 $0xFFFFE000  }
0x3c: {  	[tilespmem:s21], [sflag:$0x4] =	stream.indirect.gather [hbm4b:s1+s16], $0x80, s14, s16, $0xb8;
	[tilespmem:$0x1CA80] =	vst v63  }
0x3d: {  	s5 =	rddreg [dreg:$0x9]  }
0x3e: {  	[spmem:s2] =	stream.indirect.scatter.add.f32 [tilespmem:s17], [sflag:$0x5], $0x80, s5, s16, $0xb8;
	[tilespmem:$0x1CA80] =	vst v63  }
0x3f: {  	_ =	swait.ge [sflag:s22], $0x2000  }
0x40: {  	[sflag:s22] =	ssyncset.done $0x0  }
0x41: {  	[sflag:s22] =	ssyncadd.s32 $0xFFFFE000  }
0x42: {  	_ =	swait.ge [sflag:s23], $0x2000  }
0x43: {  	[sflag:s23] =	ssyncset.done $0x0  }
0x44: {  	s14 =	rddreg [dreg:$0xa];
	[sflag:s23] =	ssyncadd.s32 $0xFFFFE000  }
0x45: {  	[tilespmem:s17], [sflag:$0x1] =	stream.indirect.gather [hbm4b:s1+s16], $0x80, s14, s16, $0xb8;
	[tilespmem:$0x1CA80] =	vst v63  }
0x46: {  	s5 =	rddreg [dreg:$0xb]  }
0x47: {  	[spmem:s2] =	stream.indirect.scatter.add.f32 [tilespmem:s18], [sflag:$0x6], $0x80, s5, s16, $0xb8;
	[tilespmem:$0x1CA80] =	vst v63  }
0x48: {  	_ =	swait.ge [sflag:s24], $0x2000  }
0x49: {  	[sflag:s24] =	ssyncset.done $0x0  }
0x4a: {  	[sflag:s24] =	ssyncadd.s32 $0xFFFFE000  }
0x4b: {  	_ =	swait.ge [sflag:s25], $0x2000  }
0x4c: {  	[sflag:s25] =	ssyncset.done $0x0  }
0x4d: {  	s14 =	rddreg [dreg:$0xc];
	[sflag:s25] =	ssyncadd.s32 $0xFFFFE000  }
0x4e: {  	[tilespmem:s18], [sflag:$0x2] =	stream.indirect.gather [hbm4b:s6+s16], $0x80, s14, s16, $0xb8;
	[tilespmem:$0x1CA80] =	vst v63  }
0x4f: {  	s5 =	rddreg [dreg:$0xd]  }
0x50: {  	[spmem:s3] =	stream.indirect.scatter.add.f32 [tilespmem:s19], [sflag:$0x7], $0x80, s5, s16, $0xb8;
	[tilespmem:$0x1CA80] =	vst v63  }
0x51: {  	_ =	swait.ge [sflag:s26], $0x2000  }
0x52: {  	[sflag:s26] =	ssyncset.done $0x0  }
0x53: {  	[sflag:s26] =	ssyncadd.s32 $0xFFFFE000  }
0x54: {  	_ =	swait.ge [sflag:s28], $0x2000  }
0x55: {  	[sflag:s28] =	ssyncset.done $0x0  }
0x56: {  	s14 =	rddreg [dreg:$0xe];
	[sflag:s28] =	ssyncadd.s32 $0xFFFFE000  }
0x57: {  	[tilespmem:s19], [sflag:$0x3] =	stream.indirect.gather [hbm4b:s1+s16], $0x80, s14, s16, $0xb8;
	[tilespmem:$0x1CA80] =	vst v63  }
0x58: {  	s5 =	rddreg [dreg:$0xf]  }
0x59: {  	[spmem:s2] =	stream.indirect.scatter.add.f32 [tilespmem:s21], [sflag:$0x8], $0x80, s5, s16, $0xb8;
	[tilespmem:$0x1CA80] =	vst v63  }
0x5a: {  	_ =	swait.ge [sflag:s20], $0x2000  }
0x5b: {  	[sflag:s20] =	ssyncset.done $0x0  }
0x5c: {  	[sflag:s20] =	ssyncadd.s32 $0xFFFFE000  }
0x5d: {  	_ =	swait.ge [sflag:s29], $0x2000  }
0x5e: {  	[sflag:s29] =	ssyncset.done $0x0  }
0x5f: {  	s14 =	rddreg [dreg:$0x10];
	[sflag:s29] =	ssyncadd.s32 $0xFFFFE000  }
0x60: {  	[tilespmem:s21], [sflag:$0x4] =	stream.indirect.gather [hbm4b:s1+s16], $0x80, s14, s16, $0xb8;
	[tilespmem:$0x1CA80] =	vst v63  }
0x61: {  	s5 =	rddreg [dreg:$0x11]  }
0x62: {  	[spmem:s2] =	stream.indirect.scatter.add.f32 [tilespmem:s17], [sflag:$0x5], $0x80, s5, s16, $0xb8;
	[tilespmem:$0x1CA80] =	vst v63  }
0x63: {  	_ =	swait.ge [sflag:s22], $0x2000  }
0x64: {  	[sflag:s22] =	ssyncset.done $0x0  }
0x65: {  	[sflag:s22] =	ssyncadd.s32 $0xFFFFE000  }
0x66: {  	_ =	swait.ge [sflag:s23], $0x2000  }
0x67: {  	[sflag:s23] =	ssyncset.done $0x0  }
0x68: {  	s14 =	rddreg [dreg:$0x12];
	[sflag:s23] =	ssyncadd.s32 $0xFFFFE000  }
0x69: {  	[tilespmem:s17], [sflag:$0x1] =	stream.indirect.gather [hbm4b:s6+s16], $0x80, s14, s16, $0xb8;
	[tilespmem:$0x1CA80] =	vst v63  }
0x6a: {  	s5 =	rddreg [dreg:$0x13]  }
0x6b: {  	[spmem:s3] =	stream.indirect.scatter.add.f32 [tilespmem:s18], [sflag:$0x6], $0x80, s5, s16, $0xb8;
	[tilespmem:$0x1CA80] =	vst v63  }
0x6c: {  	_ =	swait.ge [sflag:s24], $0x2000  }
0x6d: {  	[sflag:s24] =	ssyncset.done $0x0  }
0x6e: {  	[sflag:s24] =	ssyncadd.s32 $0xFFFFE000  }
0x6f: {  	_ =	swait.ge [sflag:s25], $0x2000  }
0x70: {  	[sflag:s25] =	ssyncset.done $0x0  }
0x71: {  	s14 =	rddreg [dreg:$0x14];
	[sflag:s25] =	ssyncadd.s32 $0xFFFFE000  }
0x72: {  	[tilespmem:s18], [sflag:$0x2] =	stream.indirect.gather [hbm4b:s1+s16], $0x80, s14, s16, $0xb8;
	[tilespmem:$0x1CA80] =	vst v63  }
0x73: {  	_ = 	snop  }
0x74: {  	[spmem:s2] =	stream.indirect.scatter.add.f32 [tilespmem:s19], [sflag:$0x7], $0x80, s30, s16, $0xb8;
	[tilespmem:$0x1CA80] =	vst v63  }
0x75: {  	_ =	swait.ge [sflag:s26], $0x2000  }
0x76: {  	[sflag:s26] =	ssyncset.done $0x0  }
0x77: {  	[sflag:s26] =	ssyncadd.s32 $0xFFFFE000  }
0x78: {  	_ =	swait.ge [sflag:s28], $0x2000  }
0x79: {  	[sflag:s28] =	ssyncset.done $0x0  }
0x7a: {  	[sflag:s28] =	ssyncadd.s32 $0xFFFFE000  }
0x7b: {  	[tilespmem:s19], [sflag:$0x3] =	stream.indirect.gather [hbm4b:s1+s16], $0x80, s31, s16, $0xb8;
	[tilespmem:$0x1CA80] =	vst v63  }
0x7c: {  	_ = 	snop  }
0x7d: {  	[spmem:s2] =	stream.indirect.scatter.add.f32 [tilespmem:s21], [sflag:$0x8], $0x80, s0, s16, $0xb8;
	[tilespmem:$0x1CA80] =	vst v63  }
0x7e: {  	_ =	swait.ge [sflag:s20], $0x2000  }
0x7f: {  	[sflag:s20] =	ssyncset.done $0x0  }
0x80: {  	[sflag:s20] =	ssyncadd.s32 $0xFFFFE000  }
0x81: {  	_ =	swait.ge [sflag:s29], $0x2000  }
0x82: {  	[sflag:s29] =	ssyncset.done $0x0  }
0x83: {  	[sflag:s29] =	ssyncadd.s32 $0xFFFFE000  }
0x84: {  	[tilespmem:s21], [sflag:$0x4] =	stream.indirect.gather [hbm4b:s6+s16], $0x80, s4, s16, $0xb8;
	[tilespmem:$0x1CA80] =	vst v63  }
0x85: {  	_ = 	snop  }
0x86: {  	[spmem:s3] =	stream.indirect.scatter.add.f32 [tilespmem:s17], [sflag:$0x5], $0x80, s9, s16, $0xb8;
	[tilespmem:$0x1CA80] =	vst v63  }
0x87: {  	_ =	swait.ge [sflag:s22], $0x2000  }
0x88: {  	[sflag:s22] =	ssyncset.done $0x0  }
0x89: {  	[sflag:s22] =	ssyncadd.s32 $0xFFFFE000  }
0x8a: {  	[spmem:s2] =	stream.indirect.scatter.add.f32 [tilespmem:s18], [sflag:$0x6], $0x80, s10, s16, $0xb8;
	[tilespmem:$0x1CA80] =	vst v63  }
0x8b: {  	_ =	swait.ge [sflag:s24], $0x2000  }
0x8c: {  	[sflag:s24] =	ssyncset.done $0x0  }
0x8d: {  	[sflag:s24] =	ssyncadd.s32 $0xFFFFE000  }
0x8e: {  	[spmem:s2] =	stream.indirect.scatter.add.f32 [tilespmem:s19], [sflag:$0x7], $0x80, s11, s16, $0xb8;
	[tilespmem:$0x1CA80] =	vst v63  }
0x8f: {  	_ =	swait.ge [sflag:s26], $0x2000  }
0x90: {  	[sflag:s26] =	ssyncset.done $0x0  }
0x91: {  	[sflag:s26] =	ssyncadd.s32 $0xFFFFE000  }
0x92: {  	[spmem:s3] =	stream.indirect.scatter.add.f32 [tilespmem:s21], [sflag:$0x8], $0x80, s7, s16, $0xb8;
	[tilespmem:$0x1CA80] =	vst v63  }
0x93: {  	_ =	swait.ge [sflag:s23], $0x2000  }
0x94: {  	[sflag:s23] =	ssyncset.done $0x0  }
0x95: {  	[sflag:s23] =	ssyncadd.s32 $0xFFFFE000  }
0x96: {  	_ =	swait.ge [sflag:s25], $0x2000  }
0x97: {  	[sflag:s25] =	ssyncset.done $0x0  }
0x98: {  	[sflag:s25] =	ssyncadd.s32 $0xFFFFE000  }
0x99: {  	_ =	swait.ge [sflag:s28], $0x2000  }
0x9a: {  	[sflag:s28] =	ssyncset.done $0x0  }
0x9b: {  	[sflag:s28] =	ssyncadd.s32 $0xFFFFE000  }
0x9c: {  	s8 =	simm.s32 $0x300;
	_ =	swait.ge [sflag:s29], $0x2000  }
0x9d: {  	s14 =	simm.s32 $0x180;
	s12 =	rddreg [dreg:$0x5];
	[sflag:s29] =	ssyncset.done $0x0  }
.LBB2_2:
0x9e: {  	[sflag:s29] =	ssyncadd.s32 $0xFFFFE000;
	s5 =	smov.u32 s8  }
0x9f: {  	s12 =	sadd.s32 s14, s12;
	s14 =	smov.u32 s5;
	s5 =	simm.s32 $0x0  }
0xa0: {  	[tilespmem:s15], [sflag:$0x9] =	stream.linear.gather [hbm4b:s12+s5], $0xC00, $0x38;
	[tilespmem:$0x1CA80] =	vst v63  }
0xa1: {  	_ =	swait.ge [sflag:s13], $0xC00  }
0xa2: {  	[sflag:s13] =	ssyncset.done $0x0  }
0xa3: {  	[sflag:s13] =	ssyncadd.s32 $0xFFFFF400  }
0xa4: {  	[tilespmem:s17], [sflag:$0x1] =	stream.indirect.gather [hbm4b:s1+s16], $0x80, s15, s16, $0xb8;
	[tilespmem:$0x1CA80] =	vst v63  }
0xa5: {  	s5 =	rddreg [dreg:$0x6]  }
0xa6: {  	[tilespmem:s18], [sflag:$0x2] =	stream.indirect.gather [hbm4b:s1+s16], $0x80, s5, s16, $0xb8;
	[tilespmem:$0x1CA80] =	vst v63  }
0xa7: {  	s12 =	rddreg [dreg:$0x7]  }
0xa8: {  	[tilespmem:s19], [sflag:$0x3] =	stream.indirect.gather [hbm4b:s6+s16], $0x80, s12, s16, $0xb8;
	[tilespmem:$0x1CA80] =	vst v63  }
0xa9: {  	_ =	swait.ge [sflag:s20], $0x2000  }
0xaa: {  	[sflag:s20] =	ssyncset.done $0x0  }
0xab: {  	s5 =	rddreg [dreg:$0x8];
	[sflag:s20] =	ssyncadd.s32 $0xFFFFE000  }
0xac: {  	[tilespmem:s21], [sflag:$0x4] =	stream.indirect.gather [hbm4b:s1+s16], $0x80, s5, s16, $0xb8;
	[tilespmem:$0x1CA80] =	vst v63  }
0xad: {  	s12 =	rddreg [dreg:$0x9]  }
0xae: {  	[spmem:s2] =	stream.indirect.scatter.add.f32 [tilespmem:s17], [sflag:$0x5], $0x80, s12, s16, $0xb8;
	[tilespmem:$0x1CA80] =	vst v63  }
0xaf: {  	_ =	swait.ge [sflag:s22], $0x2000  }
0xb0: {  	[sflag:s22] =	ssyncset.done $0x0  }
0xb1: {  	[sflag:s22] =	ssyncadd.s32 $0xFFFFE000  }
0xb2: {  	_ =	swait.ge [sflag:s23], $0x2000  }
0xb3: {  	[sflag:s23] =	ssyncset.done $0x0  }
0xb4: {  	s5 =	rddreg [dreg:$0xa];
	[sflag:s23] =	ssyncadd.s32 $0xFFFFE000  }
0xb5: {  	[tilespmem:s17], [sflag:$0x1] =	stream.indirect.gather [hbm4b:s1+s16], $0x80, s5, s16, $0xb8;
	[tilespmem:$0x1CA80] =	vst v63  }
0xb6: {  	s12 =	rddreg [dreg:$0xb]  }
0xb7: {  	[spmem:s2] =	stream.indirect.scatter.add.f32 [tilespmem:s18], [sflag:$0x6], $0x80, s12, s16, $0xb8;
	[tilespmem:$0x1CA80] =	vst v63  }
0xb8: {  	_ =	swait.ge [sflag:s24], $0x2000  }
0xb9: {  	[sflag:s24] =	ssyncset.done $0x0  }
0xba: {  	[sflag:s24] =	ssyncadd.s32 $0xFFFFE000  }
0xbb: {  	_ =	swait.ge [sflag:s25], $0x2000  }
0xbc: {  	[sflag:s25] =	ssyncset.done $0x0  }
0xbd: {  	s5 =	rddreg [dreg:$0xc];
	[sflag:s25] =	ssyncadd.s32 $0xFFFFE000  }
0xbe: {  	[tilespmem:s18], [sflag:$0x2] =	stream.indirect.gather [hbm4b:s6+s16], $0x80, s5, s16, $0xb8;
	[tilespmem:$0x1CA80] =	vst v63  }
0xbf: {  	s12 =	rddreg [dreg:$0xd]  }
0xc0: {  	[spmem:s3] =	stream.indirect.scatter.add.f32 [tilespmem:s19], [sflag:$0x7], $0x80, s12, s16, $0xb8;
	[tilespmem:$0x1CA80] =	vst v63  }
0xc1: {  	_ =	swait.ge [sflag:s26], $0x2000  }
0xc2: {  	[sflag:s26] =	ssyncset.done $0x0  }
0xc3: {  	[sflag:s26] =	ssyncadd.s32 $0xFFFFE000  }
0xc4: {  	_ =	swait.ge [sflag:s28], $0x2000  }
0xc5: {  	[sflag:s28] =	ssyncset.done $0x0  }
0xc6: {  	s5 =	rddreg [dreg:$0xe];
	[sflag:s28] =	ssyncadd.s32 $0xFFFFE000  }
0xc7: {  	[tilespmem:s19], [sflag:$0x3] =	stream.indirect.gather [hbm4b:s1+s16], $0x80, s5, s16, $0xb8;
	[tilespmem:$0x1CA80] =	vst v63  }
0xc8: {  	s12 =	rddreg [dreg:$0xf]  }
0xc9: {  	[spmem:s2] =	stream.indirect.scatter.add.f32 [tilespmem:s21], [sflag:$0x8], $0x80, s12, s16, $0xb8;
	[tilespmem:$0x1CA80] =	vst v63  }
0xca: {  	_ =	swait.ge [sflag:s20], $0x2000  }
0xcb: {  	[sflag:s20] =	ssyncset.done $0x0  }
0xcc: {  	[sflag:s20] =	ssyncadd.s32 $0xFFFFE000  }
0xcd: {  	_ =	swait.ge [sflag:s29], $0x2000  }
0xce: {  	[sflag:s29] =	ssyncset.done $0x0  }
0xcf: {  	s5 =	rddreg [dreg:$0x10];
	[sflag:s29] =	ssyncadd.s32 $0xFFFFE000  }
0xd0: {  	[tilespmem:s21], [sflag:$0x4] =	stream.indirect.gather [hbm4b:s1+s16], $0x80, s5, s16, $0xb8;
	[tilespmem:$0x1CA80] =	vst v63  }
0xd1: {  	s12 =	rddreg [dreg:$0x11]  }
0xd2: {  	[spmem:s2] =	stream.indirect.scatter.add.f32 [tilespmem:s17], [sflag:$0x5], $0x80, s12, s16, $0xb8;
	[tilespmem:$0x1CA80] =	vst v63  }
0xd3: {  	_ =	swait.ge [sflag:s22], $0x2000  }
0xd4: {  	[sflag:s22] =	ssyncset.done $0x0  }
0xd5: {  	[sflag:s22] =	ssyncadd.s32 $0xFFFFE000  }
0xd6: {  	_ =	swait.ge [sflag:s23], $0x2000  }
0xd7: {  	[sflag:s23] =	ssyncset.done $0x0  }
0xd8: {  	s5 =	rddreg [dreg:$0x12];
	[sflag:s23] =	ssyncadd.s32 $0xFFFFE000  }
0xd9: {  	[tilespmem:s17], [sflag:$0x1] =	stream.indirect.gather [hbm4b:s6+s16], $0x80, s5, s16, $0xb8;
	[tilespmem:$0x1CA80] =	vst v63  }
0xda: {  	s12 =	rddreg [dreg:$0x13]  }
0xdb: {  	[spmem:s3] =	stream.indirect.scatter.add.f32 [tilespmem:s18], [sflag:$0x6], $0x80, s12, s16, $0xb8;
	[tilespmem:$0x1CA80] =	vst v63  }
0xdc: {  	_ =	swait.ge [sflag:s24], $0x2000  }
0xdd: {  	[sflag:s24] =	ssyncset.done $0x0  }
0xde: {  	[sflag:s24] =	ssyncadd.s32 $0xFFFFE000  }
0xdf: {  	_ =	swait.ge [sflag:s25], $0x2000  }
0xe0: {  	[sflag:s25] =	ssyncset.done $0x0  }
0xe1: {  	s12 =	rddreg [dreg:$0x14];
	[sflag:s25] =	ssyncadd.s32 $0xFFFFE000  }
0xe2: {  	[tilespmem:s18], [sflag:$0x2] =	stream.indirect.gather [hbm4b:s1+s16], $0x80, s12, s16, $0xb8;
	[tilespmem:$0x1CA80] =	vst v63  }
0xe3: {  	_ = 	snop  }
0xe4: {  	[spmem:s2] =	stream.indirect.scatter.add.f32 [tilespmem:s19], [sflag:$0x7], $0x80, s30, s16, $0xb8;
	[tilespmem:$0x1CA80] =	vst v63  }
0xe5: {  	_ =	swait.ge [sflag:s26], $0x2000  }
0xe6: {  	[sflag:s26] =	ssyncset.done $0x0  }
0xe7: {  	[sflag:s26] =	ssyncadd.s32 $0xFFFFE000  }
0xe8: {  	_ =	swait.ge [sflag:s28], $0x2000  }
0xe9: {  	[sflag:s28] =	ssyncset.done $0x0  }
0xea: {  	[sflag:s28] =	ssyncadd.s32 $0xFFFFE000  }
0xeb: {  	[tilespmem:s19], [sflag:$0x3] =	stream.indirect.gather [hbm4b:s1+s16], $0x80, s31, s16, $0xb8;
	[tilespmem:$0x1CA80] =	vst v63  }
0xec: {  	_ = 	snop  }
0xed: {  	[spmem:s2] =	stream.indirect.scatter.add.f32 [tilespmem:s21], [sflag:$0x8], $0x80, s0, s16, $0xb8;
	[tilespmem:$0x1CA80] =	vst v63  }
0xee: {  	_ =	swait.ge [sflag:s20], $0x2000  }
0xef: {  	[sflag:s20] =	ssyncset.done $0x0  }
0xf0: {  	[sflag:s20] =	ssyncadd.s32 $0xFFFFE000  }
0xf1: {  	_ =	swait.ge [sflag:s29], $0x2000  }
0xf2: {  	[sflag:s29] =	ssyncset.done $0x0  }
0xf3: {  	[sflag:s29] =	ssyncadd.s32 $0xFFFFE000  }
0xf4: {  	[tilespmem:s21], [sflag:$0x4] =	stream.indirect.gather [hbm4b:s6+s16], $0x80, s4, s16, $0xb8;
	[tilespmem:$0x1CA80] =	vst v63  }
0xf5: {  	_ = 	snop  }
0xf6: {  	[spmem:s3] =	stream.indirect.scatter.add.f32 [tilespmem:s17], [sflag:$0x5], $0x80, s9, s16, $0xb8;
	[tilespmem:$0x1CA80] =	vst v63  }
0xf7: {  	_ =	swait.ge [sflag:s22], $0x2000  }
0xf8: {  	[sflag:s22] =	ssyncset.done $0x0  }
0xf9: {  	[sflag:s22] =	ssyncadd.s32 $0xFFFFE000  }
0xfa: {  	[spmem:s2] =	stream.indirect.scatter.add.f32 [tilespmem:s18], [sflag:$0x6], $0x80, s10, s16, $0xb8;
	[tilespmem:$0x1CA80] =	vst v63  }
0xfb: {  	_ =	swait.ge [sflag:s24], $0x2000  }
0xfc: {  	[sflag:s24] =	ssyncset.done $0x0  }
0xfd: {  	[sflag:s24] =	ssyncadd.s32 $0xFFFFE000  }
0xfe: {  	[spmem:s2] =	stream.indirect.scatter.add.f32 [tilespmem:s19], [sflag:$0x7], $0x80, s11, s16, $0xb8;
	[tilespmem:$0x1CA80] =	vst v63  }
0xff: {  	_ =	swait.ge [sflag:s26], $0x2000  }
0x100: {  	[sflag:s26] =	ssyncset.done $0x0  }
0x101: {  	[sflag:s26] =	ssyncadd.s32 $0xFFFFE000  }
0x102: {  	[spmem:s3] =	stream.indirect.scatter.add.f32 [tilespmem:s21], [sflag:$0x8], $0x80, s7, s16, $0xb8;
	[tilespmem:$0x1CA80] =	vst v63  }
0x103: {  	_ =	swait.ge [sflag:s23], $0x2000  }
0x104: {  	[sflag:s23] =	ssyncset.done $0x0  }
0x105: {  	[sflag:s23] =	ssyncadd.s32 $0xFFFFE000  }
0x106: {  	_ =	swait.ge [sflag:s25], $0x2000  }
0x107: {  	[sflag:s25] =	ssyncset.done $0x0  }
0x108: {  	p0 =	sne.s32 s8, $0x1C80;
	[sflag:s25] =	ssyncadd.s32 $0xFFFFE000  }
.Ltmp0:
0x109: {  	_ =	swait.ge [sflag:s28], $0x2000;
	(pc) =	sbr.rel @p0 .LBB2_2-.Ltmp0, $4  }
0x10a: {  	[sflag:s28] =	ssyncset.done $0x0  }
0x10b: {  	[sflag:s28] =	ssyncadd.s32 $0xFFFFE000  }
0x10c: {  	_ =	swait.ge [sflag:s29], $0x2000  }
0x10d: {  	s8 =	sadd.s32 $0x180, s8;
	s12 =	rddreg [dreg:$0x5];
	[sflag:s29] =	ssyncset.done $0x0  }
0x10e: {  	[sflag:s29] =	ssyncadd.s32 $0xFFFFE000;
	s5 =	sadd.s32 s14, s12;
	s8 =	simm.s32 $0x0  }
0x10f: {  	[tilespmem:s15], [sflag:$0x9] =	stream.linear.gather [hbm4b:s5+s8], $0xC00, $0x38;
	[tilespmem:$0x1CA80] =	vst v63  }
0x110: {  	_ =	swait.ge [sflag:s13], $0xC00  }
0x111: {  	[sflag:s13] =	ssyncset.done $0x0  }
0x112: {  	[sflag:s13] =	ssyncadd.s32 $0xFFFFF400  }
0x113: {  	[tilespmem:s17], [sflag:$0x1] =	stream.indirect.gather [hbm4b:s1+s16], $0x80, s15, s16, $0xb8;
	[tilespmem:$0x1CA80] =	vst v63  }
0x114: {  	s12 =	rddreg [dreg:$0x6]  }
0x115: {  	[tilespmem:s18], [sflag:$0x2] =	stream.indirect.gather [hbm4b:s1+s16], $0x80, s12, s16, $0xb8;
	[tilespmem:$0x1CA80] =	vst v63  }
0x116: {  	s14 =	rddreg [dreg:$0x7]  }
0x117: {  	[tilespmem:s19], [sflag:$0x3] =	stream.indirect.gather [hbm4b:s6+s16], $0x80, s14, s16, $0xb8;
	[tilespmem:$0x1CA80] =	vst v63  }
0x118: {  	_ =	swait.ge [sflag:s20], $0x2000  }
0x119: {  	[sflag:s20] =	ssyncset.done $0x0  }
0x11a: {  	s12 =	rddreg [dreg:$0x8];
	[sflag:s20] =	ssyncadd.s32 $0xFFFFE000  }
0x11b: {  	[tilespmem:s21], [sflag:$0x4] =	stream.indirect.gather [hbm4b:s1+s16], $0x80, s12, s16, $0xb8;
	[tilespmem:$0x1CA80] =	vst v63  }
0x11c: {  	s14 =	rddreg [dreg:$0x9]  }
0x11d: {  	[spmem:s2] =	stream.indirect.scatter.add.f32 [tilespmem:s17], [sflag:$0x5], $0x80, s14, s16, $0xb8;
	[tilespmem:$0x1CA80] =	vst v63  }
0x11e: {  	_ =	swait.ge [sflag:s22], $0x2000  }
0x11f: {  	[sflag:s22] =	ssyncset.done $0x0  }
0x120: {  	[sflag:s22] =	ssyncadd.s32 $0xFFFFE000  }
0x121: {  	_ =	swait.ge [sflag:s23], $0x2000  }
0x122: {  	[sflag:s23] =	ssyncset.done $0x0  }
0x123: {  	s12 =	rddreg [dreg:$0xa];
	[sflag:s23] =	ssyncadd.s32 $0xFFFFE000  }
0x124: {  	[tilespmem:s17], [sflag:$0x1] =	stream.indirect.gather [hbm4b:s1+s16], $0x80, s12, s16, $0xb8;
	[tilespmem:$0x1CA80] =	vst v63  }
0x125: {  	s14 =	rddreg [dreg:$0xb]  }
0x126: {  	[spmem:s2] =	stream.indirect.scatter.add.f32 [tilespmem:s18], [sflag:$0x6], $0x80, s14, s16, $0xb8;
	[tilespmem:$0x1CA80] =	vst v63  }
0x127: {  	_ =	swait.ge [sflag:s24], $0x2000  }
0x128: {  	[sflag:s24] =	ssyncset.done $0x0  }
0x129: {  	[sflag:s24] =	ssyncadd.s32 $0xFFFFE000  }
0x12a: {  	_ =	swait.ge [sflag:s25], $0x2000  }
0x12b: {  	[sflag:s25] =	ssyncset.done $0x0  }
0x12c: {  	s12 =	rddreg [dreg:$0xc];
	[sflag:s25] =	ssyncadd.s32 $0xFFFFE000  }
0x12d: {  	[tilespmem:s18], [sflag:$0x2] =	stream.indirect.gather [hbm4b:s6+s16], $0x80, s12, s16, $0xb8;
	[tilespmem:$0x1CA80] =	vst v63  }
0x12e: {  	s14 =	rddreg [dreg:$0xd]  }
0x12f: {  	[spmem:s3] =	stream.indirect.scatter.add.f32 [tilespmem:s19], [sflag:$0x7], $0x80, s14, s16, $0xb8;
	[tilespmem:$0x1CA80] =	vst v63  }
0x130: {  	_ =	swait.ge [sflag:s26], $0x2000  }
0x131: {  	[sflag:s26] =	ssyncset.done $0x0  }
0x132: {  	[sflag:s26] =	ssyncadd.s32 $0xFFFFE000  }
0x133: {  	_ =	swait.ge [sflag:s28], $0x2000  }
0x134: {  	[sflag:s28] =	ssyncset.done $0x0  }
0x135: {  	s12 =	rddreg [dreg:$0xe];
	[sflag:s28] =	ssyncadd.s32 $0xFFFFE000  }
0x136: {  	[tilespmem:s19], [sflag:$0x3] =	stream.indirect.gather [hbm4b:s1+s16], $0x80, s12, s16, $0xb8;
	[tilespmem:$0x1CA80] =	vst v63  }
0x137: {  	s14 =	rddreg [dreg:$0xf]  }
0x138: {  	[spmem:s2] =	stream.indirect.scatter.add.f32 [tilespmem:s21], [sflag:$0x8], $0x80, s14, s16, $0xb8;
	[tilespmem:$0x1CA80] =	vst v63  }
0x139: {  	_ =	swait.ge [sflag:s20], $0x2000  }
0x13a: {  	[sflag:s20] =	ssyncset.done $0x0  }
0x13b: {  	[sflag:s20] =	ssyncadd.s32 $0xFFFFE000  }
0x13c: {  	_ =	swait.ge [sflag:s29], $0x2000  }
0x13d: {  	[sflag:s29] =	ssyncset.done $0x0  }
0x13e: {  	s12 =	rddreg [dreg:$0x10];
	[sflag:s29] =	ssyncadd.s32 $0xFFFFE000  }
0x13f: {  	[tilespmem:s21], [sflag:$0x4] =	stream.indirect.gather [hbm4b:s1+s16], $0x80, s12, s16, $0xb8;
	[tilespmem:$0x1CA80] =	vst v63  }
0x140: {  	s14 =	rddreg [dreg:$0x11]  }
0x141: {  	[spmem:s2] =	stream.indirect.scatter.add.f32 [tilespmem:s17], [sflag:$0x5], $0x80, s14, s16, $0xb8;
	[tilespmem:$0x1CA80] =	vst v63  }
0x142: {  	_ =	swait.ge [sflag:s22], $0x2000  }
0x143: {  	[sflag:s22] =	ssyncset.done $0x0  }
0x144: {  	[sflag:s22] =	ssyncadd.s32 $0xFFFFE000  }
0x145: {  	_ =	swait.ge [sflag:s23], $0x2000  }
0x146: {  	[sflag:s23] =	ssyncset.done $0x0  }
0x147: {  	s8 =	rddreg [dreg:$0x12];
	[sflag:s23] =	ssyncadd.s32 $0xFFFFE000  }
0x148: {  	[tilespmem:s17], [sflag:$0x1] =	stream.indirect.gather [hbm4b:s6+s16], $0x80, s8, s16, $0xb8;
	[tilespmem:$0x1CA80] =	vst v63  }
0x149: {  	s12 =	rddreg [dreg:$0x13]  }
0x14a: {  	[spmem:s3] =	stream.indirect.scatter.add.f32 [tilespmem:s18], [sflag:$0x6], $0x80, s12, s16, $0xb8;
	[tilespmem:$0x1CA80] =	vst v63  }
0x14b: {  	_ =	swait.ge [sflag:s24], $0x2000  }
0x14c: {  	[sflag:s24] =	ssyncset.done $0x0  }
0x14d: {  	[sflag:s24] =	ssyncadd.s32 $0xFFFFE000  }
0x14e: {  	_ =	swait.ge [sflag:s25], $0x2000  }
0x14f: {  	[sflag:s25] =	ssyncset.done $0x0  }
0x150: {  	s14 =	rddreg [dreg:$0x14];
	[sflag:s25] =	ssyncadd.s32 $0xFFFFE000  }
0x151: {  	[tilespmem:s18], [sflag:$0x2] =	stream.indirect.gather [hbm4b:s1+s16], $0x80, s14, s16, $0xb8;
	[tilespmem:$0x1CA80] =	vst v63  }
0x152: {  	_ = 	snop  }
0x153: {  	[spmem:s2] =	stream.indirect.scatter.add.f32 [tilespmem:s19], [sflag:$0x7], $0x80, s30, s16, $0xb8;
	[tilespmem:$0x1CA80] =	vst v63  }
0x154: {  	_ =	swait.ge [sflag:s26], $0x2000  }
0x155: {  	[sflag:s26] =	ssyncset.done $0x0  }
0x156: {  	[sflag:s26] =	ssyncadd.s32 $0xFFFFE000  }
0x157: {  	_ =	swait.ge [sflag:s28], $0x2000  }
0x158: {  	[sflag:s28] =	ssyncset.done $0x0  }
0x159: {  	[sflag:s28] =	ssyncadd.s32 $0xFFFFE000  }
0x15a: {  	[tilespmem:s19], [sflag:$0x3] =	stream.indirect.gather [hbm4b:s1+s16], $0x80, s31, s16, $0xb8;
	[tilespmem:$0x1CA80] =	vst v63  }
0x15b: {  	_ = 	snop  }
0x15c: {  	[spmem:s2] =	stream.indirect.scatter.add.f32 [tilespmem:s21], [sflag:$0x8], $0x80, s0, s16, $0xb8;
	[tilespmem:$0x1CA80] =	vst v63  }
0x15d: {  	_ =	swait.ge [sflag:s20], $0x2000  }
0x15e: {  	[sflag:s20] =	ssyncset.done $0x0  }
0x15f: {  	[sflag:s20] =	ssyncadd.s32 $0xFFFFE000  }
0x160: {  	_ =	swait.ge [sflag:s29], $0x2000  }
0x161: {  	[sflag:s29] =	ssyncset.done $0x0  }
0x162: {  	[sflag:s29] =	ssyncadd.s32 $0xFFFFE000  }
0x163: {  	[tilespmem:s21], [sflag:$0x4] =	stream.indirect.gather [hbm4b:s6+s16], $0x80, s4, s16, $0xb8;
	[tilespmem:$0x1CA80] =	vst v63  }
0x164: {  	_ = 	snop  }
0x165: {  	[spmem:s3] =	stream.indirect.scatter.add.f32 [tilespmem:s17], [sflag:$0x5], $0x80, s9, s16, $0xb8;
	[tilespmem:$0x1CA80] =	vst v63  }
0x166: {  	_ =	swait.ge [sflag:s22], $0x2000  }
0x167: {  	[sflag:s22] =	ssyncset.done $0x0  }
0x168: {  	[sflag:s22] =	ssyncadd.s32 $0xFFFFE000  }
0x169: {  	[spmem:s2] =	stream.indirect.scatter.add.f32 [tilespmem:s18], [sflag:$0x6], $0x80, s10, s16, $0xb8;
	[tilespmem:$0x1CA80] =	vst v63  }
0x16a: {  	_ =	swait.ge [sflag:s24], $0x2000  }
0x16b: {  	[sflag:s24] =	ssyncset.done $0x0  }
0x16c: {  	[sflag:s24] =	ssyncadd.s32 $0xFFFFE000  }
0x16d: {  	[spmem:s2] =	stream.indirect.scatter.add.f32 [tilespmem:s19], [sflag:$0x7], $0x80, s11, s16, $0xb8;
	[tilespmem:$0x1CA80] =	vst v63  }
0x16e: {  	_ =	swait.ge [sflag:s26], $0x2000  }
0x16f: {  	[sflag:s26] =	ssyncset.done $0x0  }
0x170: {  	[sflag:s26] =	ssyncadd.s32 $0xFFFFE000  }
0x171: {  	[spmem:s3] =	stream.indirect.scatter.add.f32 [tilespmem:s21], [sflag:$0x8], $0x80, s7, s16, $0xb8;
	[tilespmem:$0x1CA80] =	vst v63  }
0x172: {  	_ =	swait.ge [sflag:s23], $0x2000  }
0x173: {  	[sflag:s23] =	ssyncset.done $0x0  }
0x174: {  	[sflag:s23] =	ssyncadd.s32 $0xFFFFE000  }
0x175: {  	_ =	swait.ge [sflag:s25], $0x2000  }
0x176: {  	[sflag:s25] =	ssyncset.done $0x0  }
0x177: {  	[sflag:s25] =	ssyncadd.s32 $0xFFFFE000  }
0x178: {  	_ =	swait.ge [sflag:s28], $0x2000  }
0x179: {  	[sflag:s28] =	ssyncset.done $0x0  }
0x17a: {  	[sflag:s28] =	ssyncadd.s32 $0xFFFFE000  }
0x17b: {  	_ =	swait.ge [sflag:s29], $0x2000  }
0x17c: {  	[sflag:s29] =	ssyncset.done $0x0  }
0x17d: {  	[sflag:s29] =	ssyncadd.s32 $0xFFFFE000  }
0x17e: {  	[bflag:$0x0] =	sbarrier.arrive $0xFFFF  }
0x17f: {  	s12 =	rddreg [dreg:$0x16]  }
0x180: {  	s8 =	rddreg [dreg:$0x17]  }
0x181: {  	s14 =	rddreg [dreg:$0x1a]  }
0x182: {  	[hbm:s8], [sflag:s12] =	dma.local [spmem:s14], $0x2780  }
0x183: {  	_ =	swait.ge [sflag:s13], $0x2780  }
0x184: {  	[sflag:s13] =	ssyncset.done $0x0;
	s8 =	rddreg [dreg:$0x18]  }
0x185: {  	s14 =	rddreg [dreg:$0x1b];
	[sflag:s13] =	ssyncadd.s32 $0xFFFFD880  }
0x186: {  	[hbm:s8], [sflag:s12] =	dma.local [spmem:s14], $0x500  }
0x187: {  	_ =	swait.ge [sflag:s13], $0x500  }
0x188: {  	s5 =	rddreg [dreg:$0x1c]  }
0x189: {  	s8 =	sadd.s32 $0x1, s5;
	s5 =	rddreg [dreg:$0x19]  }
0x18a: {  	p0 =	sne.s32 s8, s5  }
.Ltmp1:
0x18b: {  	_ = 	snop;
	(pc) =	sbr.rel @p0 .LBB2_1-.Ltmp1, $3  }
0x18c: {  	_ =	sdelay $0x1  }
0x18d: {  	[sflag:s13] =	ssyncset.done $0x0;
	[dreg:$0x1c] =	wrdreg s8  }
0x18e: {  	[sflag:s13] =	ssyncadd.s32 $0xFFFFFB00;
	s8 =	rddreg [dreg:$0x1a]  }
0x18f: {  	_ =	sfence.sel $0x180000  }
0x190: {  	[bflag:$0x0] =	sbarrier.arrive $0xFFFF  }
0x191: {  	_ =	strace $0x90000047  }
0x192: {  	s0 =	stileid.u32;
	[bflag:$0x2] =	sbarrier.arrive $0xFFFF  }
0x193: {  	p0 =	sne.s32 s0, $0x0;
	s0 =	rddreg [dreg:$0x4]  }
0x194: {  	s0 =	sadd.s32 @!p0 $0x100000, s0  }
0x195: {  	[sflag:s0] =	ssyncadd.tile.s32 @!p0 $0x1;
	_ =	shalt  }
.Lfunc_end2:
_tile_overlayer_lowered:
.L_overlay_start_2:
0x196: {  	(tag) =	ssettag $0x2  }
0x197: {  	s0 =	rddreg [dreg:$0x0];
	s2 =	stileid.u32  }
0x198: {  	s1 =	rddreg [dreg:$0x1];
	p0 =	sne.s32 s2, $0x0  }
0x199: {  	s3 =	rddreg [dreg:$0x2];
	[bflag:$0x3] =	sbarrier.arrive $0xFFFF;
	s2 =	simm.s32 @!p0 $0x1C09  }
0x19a: {  	[timem:s3], [sflag:s2] =	dma.local @!p0 [hbm:s0], s1  }
0x19b: {  	s0 =	simm.s32 @!p0 $0x9  }
0x19c: {  	_ =	swait.ge @!p0 [sflag:s0], s1  }
0x19d: {  	s1 =	ssub.s32 @!p0 $0x0, s1;
	[sflag:s0] =	ssyncset.done @!p0 $0x0  }
0x19e: {  	[sflag:s0] =	ssyncadd.s32 @!p0 s1  }
0x19f: {  	[bflag:$0x3] =	sbarrier.arrive $0xFFFF  }
0x1a0: {  	_ =	shalt  }

</sc_bundles>
